<compile_context>
chip_gen: v7x
topology: tpu7x:2x2x1
jax: 0.10.2.dev20260603
libtpu: 0.0.44.dev20260713+nightly
codegen_flags: <defaults>
</compile_context>

<pallas_src>
import functools

import jax
import jax.numpy as jnp
from jax import lax
from jax.experimental import pallas as pl
from jax.experimental.pallas import tpu as pltpu
from jax.experimental.pallas import tpu_sc as plsc
from jax.experimental import layout as jlayout

NUM_EMB = 1000000
D = 32
N = 4096 * 200
OUT_W = 128

NC = 2
NS = 16
NW = NC * NS
R = N // NW

GRP = 128
CHUNK = 1280
G_PER_CHUNK = CHUNK // GRP
NCHUNK = R // CHUNK


@functools.partial(
    pl.kernel,
    out_type=jax.ShapeDtypeStruct((N, OUT_W), jnp.float32),
    mesh=plsc.VectorSubcoreMesh(core_axis_name="c", subcore_axis_name="s"),
    scratch_types=[
        pltpu.VMEM((R,), jnp.int32),
        pltpu.VMEM((CHUNK, D), jnp.float32),
        pltpu.VMEM((CHUNK, D), jnp.float32),
        pltpu.SemaphoreType.DMA,
        pltpu.SemaphoreType.DMA,
        pltpu.SemaphoreType.DMA,
        pltpu.SemaphoreType.DMA,
    ],
    compiler_params=pltpu.CompilerParams(use_tc_tiling_on_sc=False),
)
def _sc_gather(idx_hbm, table_hbm, out_hbm, idx_v, rows0, rows1,
               sg0, sg1, so0, so1):
    wid = lax.axis_index("s") * NC + lax.axis_index("c")
    base = wid * R
    pltpu.sync_copy(idx_hbm.at[pl.ds(base, R)], idx_v)

    rows = (rows0, rows1)
    sg = (sg0, sg1)
    so = (so0, so1)

    def fire(c, b):
        coff = c * CHUNK
        for g in range(G_PER_CHUNK):
            pltpu.async_copy(
                table_hbm.at[idx_v.at[pl.ds(coff + g * GRP, GRP)]],
                rows[b].at[pl.ds(g * GRP, GRP)],
                sg[b],
            )

    def drain_gathers(b):
        for g in range(G_PER_CHUNK):
            pltpu.make_async_copy(
                out_hbm.at[pl.ds(base, GRP), pl.ds(0, D)],
                rows[b].at[pl.ds(g * GRP, GRP)],
                sg[b],
            ).wait()

    def start_outcopy(b, c):
        pltpu.async_copy(
            rows[b],
            out_hbm.at[pl.ds(base + c * CHUNK, CHUNK), pl.ds(0, D)],
            so[b],
        )

    def wait_outcopy(b):
        pltpu.make_async_copy(
            rows[b],
            out_hbm.at[pl.ds(base, CHUNK), pl.ds(0, D)],
            so[b],
        ).wait()

    fire(0, 0)

    @pl.loop(0, NCHUNK // 2)
    def _pair(i):
        for b in range(2):
            c = i * 2 + b
            nb = 1 - b

            @pl.when(c + 1 < NCHUNK)
            def _fire_next():
                @pl.when(c + 1 >= 2)
                def _buffer_free():
                    wait_outcopy(nb)
                fire(c + 1, nb)

            drain_gathers(b)
            start_outcopy(b, c)

    wait_outcopy(0)
    wait_outcopy(1)


def kernel(x, weights):
    idx = x.reshape(-1)
    out = _sc_gather(idx, weights)
    out = out[:, :D].reshape(x.shape + (weights.shape[1],))
    return out

# --- scband reference (transcript-rebuilt; emitter-appended) ---
"""Pipeline reference for scband-embedding-17102559773093 (READ-ONLY COPY).

The authoritative reference and input builder live on the scoring server;
editing this copy changes nothing except your own understanding.
"""

import jax, jax.numpy as jnp
import numpy as np

NUM_EMBEDDINGS = 1000000
EMBEDDING_DIM = 32
BATCH = 4096
HIST_LEN = 200


def setup_inputs(seed: int = 0) -> dict:
    key = jax.random.key(seed)
    k1, k2 = jax.random.split(key)
    x = jax.random.randint(k1, (BATCH, HIST_LEN), 0, NUM_EMBEDDINGS, dtype=jnp.int64 if jax.config.jax_enable_x64 else jnp.int32).astype(jnp.int32)
    weights = jax.random.normal(k2, (NUM_EMBEDDINGS, EMBEDDING_DIM), dtype=jnp.float32)
    return {"x": x, "weights": weights}


def reference(x, weights):
    # Faithful translation of: return self.weights[x]
    return jnp.take(weights, x, axis=0)

if __name__ == "__main__":
    import jax
    _d = setup_inputs()
    print(jax.jit(kernel)(*tuple(_d.values())))

</pallas_src>

<mosaic_0001>
#map = affine_map<(d0, d1) -> (0)>
#map1 = affine_map<(d0, d1) -> (0, 0)>
module attributes {stable_mosaic.version = 14 : i64} {
  func.func @_sc_gather(%arg0: i32, %arg1: i32, %arg2: memref<819200xi32, #tpu.memory_space<hbm>>, %arg3: memref<1000000x32xf32, #tpu.memory_space<hbm>>, %arg4: memref<819200x128xf32, #tpu.memory_space<hbm>>, %arg5: memref<25600xi32, #tpu.memory_space<vmem>>, %arg6: memref<1280x32xf32, #tpu.memory_space<vmem>>, %arg7: memref<1280x32xf32, #tpu.memory_space<vmem>>, %arg8: memref<!tpu.dma_semaphore, #tpu.memory_space<semaphore_mem>>, %arg9: memref<!tpu.dma_semaphore, #tpu.memory_space<semaphore_mem>>, %arg10: memref<!tpu.dma_semaphore, #tpu.memory_space<semaphore_mem>>, %arg11: memref<!tpu.dma_semaphore, #tpu.memory_space<semaphore_mem>>) attributes {dimension_semantics = [#tpu.dimension_semantics<core_parallel>, #tpu.dimension_semantics<subcore_parallel>], iteration_bounds = array<i64: 2, 16>, scalar_prefetch = 0 : i64, scratch_operands = 7 : i64, tpu.core_type = #tpu.core_type<sc_vector_subcore>, window_params = [{transform_indices = #map}, {transform_indices = #map1}, {transform_indices = #map1}]} {
    %mul3A = arith.constant 2 : i32
    %mul3A_0 = arith.muli %arg1, %mul3A : i32
    %add3A = arith.addi %mul3A_0, %arg0 : i32
    %mul3A_1 = arith.constant 25600 : i32
    %mul3A_2 = arith.muli %add3A, %mul3A_1 : i32
    "tpu.region"() ({
      %run_scoped3A = tpu.sem_alloc : memref<!tpu.dma_semaphore, #tpu.memory_space<semaphore_mem>>
      %dma_start3A_93 = tpu.memref_slice %arg2[%mul3A_2] : memref<819200xi32, #tpu.memory_space<hbm>> -> memref<25600xi32, #tpu.memory_space<hbm>>
      %dma_start3A_94 = tpu.memref_slice %arg2[%mul3A_2] : memref<819200xi32, #tpu.memory_space<hbm>> -> memref<25600xi32, #tpu.memory_space<hbm>>
      tpu.enqueue_dma source(%dma_start3A_94 : memref<25600xi32, #tpu.memory_space<hbm>>) target(%arg5 : memref<25600xi32, #tpu.memory_space<vmem>>) target_semaphore(%run_scoped3A : memref<!tpu.dma_semaphore, #tpu.memory_space<semaphore_mem>>)
      %dma_wait3A_95 = tpu.memref_slice %arg2[%mul3A_2] : memref<819200xi32, #tpu.memory_space<hbm>> -> memref<25600xi32, #tpu.memory_space<hbm>>
      %dma_wait3A_96 = tpu.memref_slice %arg2[%mul3A_2] : memref<819200xi32, #tpu.memory_space<hbm>> -> memref<25600xi32, #tpu.memory_space<hbm>>
      tpu.wait_dma2 semaphore(%run_scoped3A : memref<!tpu.dma_semaphore, #tpu.memory_space<semaphore_mem>>) src(%dma_wait3A_96 : memref<25600xi32, #tpu.memory_space<hbm>>) dst(%arg5 : memref<25600xi32, #tpu.memory_space<vmem>>)
      tpu.yield
    }) : () -> ()
    %dma_start3A = arith.constant 0 : i32
    %dma_start3A_3 = arith.constant 0 : i32
    %dma_start3A_4 = tpu.memref_slice %arg6[%dma_start3A, %dma_start3A_3] : memref<1280x32xf32, #tpu.memory_space<vmem>> -> memref<128x32xf32, #tpu.memory_space<vmem>>
    %dma_start3A_5 = arith.constant 0 : i32
    %dma_start3A_6 = tpu.memref_slice %arg5[%dma_start3A_5] : memref<25600xi32, #tpu.memory_space<vmem>> -> memref<128xi32, #tpu.memory_space<vmem>>
    %dma_start3A_7 = arith.constant 0 : i32
    %dma_start3A_8 = arith.constant 0 : i32
    %dma_start3A_9 = tpu.memref_slice %arg3[%dma_start3A_7, %dma_start3A_8] : memref<1000000x32xf32, #tpu.memory_space<hbm>> -> memref<1000000x32xf32, #tpu.memory_space<hbm>>
    tpu.enqueue_indirect_dma source(%dma_start3A_9 : memref<1000000x32xf32, #tpu.memory_space<hbm>>) target(%dma_start3A_4 : memref<128x32xf32, #tpu.memory_space<vmem>>) offsets(%dma_start3A_6 : memref<128xi32, #tpu.memory_space<vmem>>) semaphore(%arg8 : memref<!tpu.dma_semaphore, #tpu.memory_space<semaphore_mem>>)
    %dma_start3A_10 = arith.constant 128 : i32
    %dma_start3A_11 = arith.constant 0 : i32
    %dma_start3A_12 = tpu.memref_slice %arg6[%dma_start3A_10, %dma_start3A_11] : memref<1280x32xf32, #tpu.memory_space<vmem>> -> memref<128x32xf32, #tpu.memory_space<vmem>>
    %dma_start3A_13 = arith.constant 128 : i32
    %dma_start3A_14 = tpu.memref_slice %arg5[%dma_start3A_13] : memref<25600xi32, #tpu.memory_space<vmem>> -> memref<128xi32, #tpu.memory_space<vmem>>
    %dma_start3A_15 = arith.constant 0 : i32
    %dma_start3A_16 = arith.constant 0 : i32
    %dma_start3A_17 = tpu.memref_slice %arg3[%dma_start3A_15, %dma_start3A_16] : memref<1000000x32xf32, #tpu.memory_space<hbm>> -> memref<1000000x32xf32, #tpu.memory_space<hbm>>
    tpu.enqueue_indirect_dma source(%dma_start3A_17 : memref<1000000x32xf32, #tpu.memory_space<hbm>>) target(%dma_start3A_12 : memref<128x32xf32, #tpu.memory_space<vmem>>) offsets(%dma_start3A_14 : memref<128xi32, #tpu.memory_space<vmem>>) semaphore(%arg8 : memref<!tpu.dma_semaphore, #tpu.memory_space<semaphore_mem>>)
    %dma_start3A_18 = arith.constant 256 : i32
    %dma_start3A_19 = arith.constant 0 : i32
    %dma_start3A_20 = tpu.memref_slice %arg6[%dma_start3A_18, %dma_start3A_19] : memref<1280x32xf32, #tpu.memory_space<vmem>> -> memref<128x32xf32, #tpu.memory_space<vmem>>
    %dma_start3A_21 = arith.constant 256 : i32
    %dma_start3A_22 = tpu.memref_slice %arg5[%dma_start3A_21] : memref<25600xi32, #tpu.memory_space<vmem>> -> memref<128xi32, #tpu.memory_space<vmem>>
    %dma_start3A_23 = arith.constant 0 : i32
    %dma_start3A_24 = arith.constant 0 : i32
    %dma_start3A_25 = tpu.memref_slice %arg3[%dma_start3A_23, %dma_start3A_24] : memref<1000000x32xf32, #tpu.memory_space<hbm>> -> memref<1000000x32xf32, #tpu.memory_space<hbm>>
    tpu.enqueue_indirect_dma source(%dma_start3A_25 : memref<1000000x32xf32, #tpu.memory_space<hbm>>) target(%dma_start3A_20 : memref<128x32xf32, #tpu.memory_space<vmem>>) offsets(%dma_start3A_22 : memref<128xi32, #tpu.memory_space<vmem>>) semaphore(%arg8 : memref<!tpu.dma_semaphore, #tpu.memory_space<semaphore_mem>>)
    %dma_start3A_26 = arith.constant 384 : i32
    %dma_start3A_27 = arith.constant 0 : i32
    %dma_start3A_28 = tpu.memref_slice %arg6[%dma_start3A_26, %dma_start3A_27] : memref<1280x32xf32, #tpu.memory_space<vmem>> -> memref<128x32xf32, #tpu.memory_space<vmem>>
    %dma_start3A_29 = arith.constant 384 : i32
    %dma_start3A_30 = tpu.memref_slice %arg5[%dma_start3A_29] : memref<25600xi32, #tpu.memory_space<vmem>> -> memref<128xi32, #tpu.memory_space<vmem>>
    %dma_start3A_31 = arith.constant 0 : i32
    %dma_start3A_32 = arith.constant 0 : i32
    %dma_start3A_33 = tpu.memref_slice %arg3[%dma_start3A_31, %dma_start3A_32] : memref<1000000x32xf32, #tpu.memory_space<hbm>> -> memref<1000000x32xf32, #tpu.memory_space<hbm>>
    tpu.enqueue_indirect_dma source(%dma_start3A_33 : memref<1000000x32xf32, #tpu.memory_space<hbm>>) target(%dma_start3A_28 : memref<128x32xf32, #tpu.memory_space<vmem>>) offsets(%dma_start3A_30 : memref<128xi32, #tpu.memory_space<vmem>>) semaphore(%arg8 : memref<!tpu.dma_semaphore, #tpu.memory_space<semaphore_mem>>)
    %dma_start3A_34 = arith.constant 512 : i32
    %dma_start3A_35 = arith.constant 0 : i32
    %dma_start3A_36 = tpu.memref_slice %arg6[%dma_start3A_34, %dma_start3A_35] : memref<1280x32xf32, #tpu.memory_space<vmem>> -> memref<128x32xf32, #tpu.memory_space<vmem>>
    %dma_start3A_37 = arith.constant 512 : i32
    %dma_start3A_38 = tpu.memref_slice %arg5[%dma_start3A_37] : memref<25600xi32, #tpu.memory_space<vmem>> -> memref<128xi32, #tpu.memory_space<vmem>>
    %dma_start3A_39 = arith.constant 0 : i32
    %dma_start3A_40 = arith.constant 0 : i32
    %dma_start3A_41 = tpu.memref_slice %arg3[%dma_start3A_39, %dma_start3A_40] : memref<1000000x32xf32, #tpu.memory_space<hbm>> -> memref<1000000x32xf32, #tpu.memory_space<hbm>>
    tpu.enqueue_indirect_dma source(%dma_start3A_41 : memref<1000000x32xf32, #tpu.memory_space<hbm>>) target(%dma_start3A_36 : memref<128x32xf32, #tpu.memory_space<vmem>>) offsets(%dma_start3A_38 : memref<128xi32, #tpu.memory_space<vmem>>) semaphore(%arg8 : memref<!tpu.dma_semaphore, #tpu.memory_space<semaphore_mem>>)
    %dma_start3A_42 = arith.constant 640 : i32
    %dma_start3A_43 = arith.constant 0 : i32
    %dma_start3A_44 = tpu.memref_slice %arg6[%dma_start3A_42, %dma_start3A_43] : memref<1280x32xf32, #tpu.memory_space<vmem>> -> memref<128x32xf32, #tpu.memory_space<vmem>>
    %dma_start3A_45 = arith.constant 640 : i32
    %dma_start3A_46 = tpu.memref_slice %arg5[%dma_start3A_45] : memref<25600xi32, #tpu.memory_space<vmem>> -> memref<128xi32, #tpu.memory_space<vmem>>
    %dma_start3A_47 = arith.constant 0 : i32
    %dma_start3A_48 = arith.constant 0 : i32
    %dma_start3A_49 = tpu.memref_slice %arg3[%dma_start3A_47, %dma_start3A_48] : memref<1000000x32xf32, #tpu.memory_space<hbm>> -> memref<1000000x32xf32, #tpu.memory_space<hbm>>
    tpu.enqueue_indirect_dma source(%dma_start3A_49 : memref<1000000x32xf32, #tpu.memory_space<hbm>>) target(%dma_start3A_44 : memref<128x32xf32, #tpu.memory_space<vmem>>) offsets(%dma_start3A_46 : memref<128xi32, #tpu.memory_space<vmem>>) semaphore(%arg8 : memref<!tpu.dma_semaphore, #tpu.memory_space<semaphore_mem>>)
    %dma_start3A_50 = arith.constant 768 : i32
    %dma_start3A_51 = arith.constant 0 : i32
    %dma_start3A_52 = tpu.memref_slice %arg6[%dma_start3A_50, %dma_start3A_51] : memref<1280x32xf32, #tpu.memory_space<vmem>> -> memref<128x32xf32, #tpu.memory_space<vmem>>
    %dma_start3A_53 = arith.constant 768 : i32
    %dma_start3A_54 = tpu.memref_slice %arg5[%dma_start3A_53] : memref<25600xi32, #tpu.memory_space<vmem>> -> memref<128xi32, #tpu.memory_space<vmem>>
    %dma_start3A_55 = arith.constant 0 : i32
    %dma_start3A_56 = arith.constant 0 : i32
    %dma_start3A_57 = tpu.memref_slice %arg3[%dma_start3A_55, %dma_start3A_56] : memref<1000000x32xf32, #tpu.memory_space<hbm>> -> memref<1000000x32xf32, #tpu.memory_space<hbm>>
    tpu.enqueue_indirect_dma source(%dma_start3A_57 : memref<1000000x32xf32, #tpu.memory_space<hbm>>) target(%dma_start3A_52 : memref<128x32xf32, #tpu.memory_space<vmem>>) offsets(%dma_start3A_54 : memref<128xi32, #tpu.memory_space<vmem>>) semaphore(%arg8 : memref<!tpu.dma_semaphore, #tpu.memory_space<semaphore_mem>>)
    %dma_start3A_58 = arith.constant 896 : i32
    %dma_start3A_59 = arith.constant 0 : i32
    %dma_start3A_60 = tpu.memref_slice %arg6[%dma_start3A_58, %dma_start3A_59] : memref<1280x32xf32, #tpu.memory_space<vmem>> -> memref<128x32xf32, #tpu.memory_space<vmem>>
    %dma_start3A_61 = arith.constant 896 : i32
    %dma_start3A_62 = tpu.memref_slice %arg5[%dma_start3A_61] : memref<25600xi32, #tpu.memory_space<vmem>> -> memref<128xi32, #tpu.memory_space<vmem>>
    %dma_start3A_63 = arith.constant 0 : i32
    %dma_start3A_64 = arith.constant 0 : i32
    %dma_start3A_65 = tpu.memref_slice %arg3[%dma_start3A_63, %dma_start3A_64] : memref<1000000x32xf32, #tpu.memory_space<hbm>> -> memref<1000000x32xf32, #tpu.memory_space<hbm>>
    tpu.enqueue_indirect_dma source(%dma_start3A_65 : memref<1000000x32xf32, #tpu.memory_space<hbm>>) target(%dma_start3A_60 : memref<128x32xf32, #tpu.memory_space<vmem>>) offsets(%dma_start3A_62 : memref<128xi32, #tpu.memory_space<vmem>>) semaphore(%arg8 : memref<!tpu.dma_semaphore, #tpu.memory_space<semaphore_mem>>)
    %dma_start3A_66 = arith.constant 1024 : i32
    %dma_start3A_67 = arith.constant 0 : i32
    %dma_start3A_68 = tpu.memref_slice %arg6[%dma_start3A_66, %dma_start3A_67] : memref<1280x32xf32, #tpu.memory_space<vmem>> -> memref<128x32xf32, #tpu.memory_space<vmem>>
    %dma_start3A_69 = arith.constant 1024 : i32
    %dma_start3A_70 = tpu.memref_slice %arg5[%dma_start3A_69] : memref<25600xi32, #tpu.memory_space<vmem>> -> memref<128xi32, #tpu.memory_space<vmem>>
    %dma_start3A_71 = arith.constant 0 : i32
    %dma_start3A_72 = arith.constant 0 : i32
    %dma_start3A_73 = tpu.memref_slice %arg3[%dma_start3A_71, %dma_start3A_72] : memref<1000000x32xf32, #tpu.memory_space<hbm>> -> memref<1000000x32xf32, #tpu.memory_space<hbm>>
    tpu.enqueue_indirect_dma source(%dma_start3A_73 : memref<1000000x32xf32, #tpu.memory_space<hbm>>) target(%dma_start3A_68 : memref<128x32xf32, #tpu.memory_space<vmem>>) offsets(%dma_start3A_70 : memref<128xi32, #tpu.memory_space<vmem>>) semaphore(%arg8 : memref<!tpu.dma_semaphore, #tpu.memory_space<semaphore_mem>>)
    %dma_start3A_74 = arith.constant 1152 : i32
    %dma_start3A_75 = arith.constant 0 : i32
    %dma_start3A_76 = tpu.memref_slice %arg6[%dma_start3A_74, %dma_start3A_75] : memref<1280x32xf32, #tpu.memory_space<vmem>> -> memref<128x32xf32, #tpu.memory_space<vmem>>
    %dma_start3A_77 = arith.constant 1152 : i32
    %dma_start3A_78 = tpu.memref_slice %arg5[%dma_start3A_77] : memref<25600xi32, #tpu.memory_space<vmem>> -> memref<128xi32, #tpu.memory_space<vmem>>
    %dma_start3A_79 = arith.constant 0 : i32
    %dma_start3A_80 = arith.constant 0 : i32
    %dma_start3A_81 = tpu.memref_slice %arg3[%dma_start3A_79, %dma_start3A_80] : memref<1000000x32xf32, #tpu.memory_space<hbm>> -> memref<1000000x32xf32, #tpu.memory_space<hbm>>
    tpu.enqueue_indirect_dma source(%dma_start3A_81 : memref<1000000x32xf32, #tpu.memory_space<hbm>>) target(%dma_start3A_76 : memref<128x32xf32, #tpu.memory_space<vmem>>) offsets(%dma_start3A_78 : memref<128xi32, #tpu.memory_space<vmem>>) semaphore(%arg8 : memref<!tpu.dma_semaphore, #tpu.memory_space<semaphore_mem>>)
    %scan3A = arith.constant 0 : i32
    %scan3A_82 = arith.constant 10 : i32
    %scan3A_83 = arith.addi %scan3A, %scan3A_82 : i32
    %scan3A_84 = arith.constant 1 : i32
    scf.for %scan3A_93 = %scan3A to %scan3A_83 step %scan3A_84  : i32 {
      %mul3A_94 = arith.constant 1 : i32
      %mul3A_95 = arith.muli %scan3A_93, %mul3A_94 : i32
      %add3A_96 = arith.constant 0 : i32
      %add3A_97 = arith.addi %add3A_96, %mul3A_95 : i32
      %mul3A_98 = arith.constant 2 : i32
      %mul3A_99 = arith.muli %add3A_97, %mul3A_98 : i32
      %add3A_100 = arith.constant 0 : i32
      %add3A_101 = arith.addi %mul3A_99, %add3A_100 : i32
      %add3A_102 = arith.constant 1 : i32
      %add3A_103 = arith.addi %add3A_101, %add3A_102 : i32
      %lt3A = arith.constant 20 : i32
      %lt3A_104 = arith.cmpi slt, %add3A_103, %lt3A : i32
      %convert_element_type3A = arith.extui %lt3A_104 : i1 to i32
      %cond3A = arith.constant 0 : i32
      %cond3A_105 = arith.cmpi ne, %convert_element_type3A, %cond3A : i32
      scf.if %cond3A_105 {
        %add3A_331 = arith.constant 1 : i32
        %add3A_332 = arith.addi %add3A_101, %add3A_331 : i32
        %ge3A = arith.constant 2 : i32
        %ge3A_333 = arith.cmpi sge, %add3A_332, %ge3A : i32
        %convert_element_type3A_334 = arith.extui %ge3A_333 : i1 to i32
        %cond3A_335 = arith.constant 0 : i32
        %cond3A_336 = arith.cmpi ne, %convert_element_type3A_334, %cond3A_335 : i32
        scf.if %cond3A_336 {
          %dma_wait3A_431 = arith.constant 0 : i32
          %dma_wait3A_432 = tpu.memref_slice %arg4[%mul3A_2, %dma_wait3A_431] : memref<819200x128xf32, #tpu.memory_space<hbm>> -> memref<1280x32xf32, #tpu.memory_space<hbm>>
          %dma_wait3A_433 = arith.constant 0 : i32
          %dma_wait3A_434 = tpu.memref_slice %arg4[%mul3A_2, %dma_wait3A_433] : memref<819200x128xf32, #tpu.memory_space<hbm>> -> memref<1280x32xf32, #tpu.memory_space<hbm>>
          tpu.wait_dma2 semaphore(%arg11 : memref<!tpu.dma_semaphore, #tpu.memory_space<semaphore_mem>>) src(%arg7 : memref<1280x32xf32, #tpu.memory_space<vmem>>) dst(%dma_wait3A_434 : memref<1280x32xf32, #tpu.memory_space<hbm>>)
        } else {
        }
        %add3A_337 = arith.constant 1 : i32
        %add3A_338 = arith.addi %add3A_101, %add3A_337 : i32
        %mul3A_339 = arith.constant 1280 : i32
        %mul3A_340 = arith.muli %add3A_338, %mul3A_339 : i32
        %add3A_341 = arith.constant 0 : i32
        %add3A_342 = arith.addi %mul3A_340, %add3A_341 : i32
        %dma_start3A_343 = arith.constant 0 : i32
        %dma_start3A_344 = arith.constant 0 : i32
        %dma_start3A_345 = tpu.memref_slice %arg7[%dma_start3A_343, %dma_start3A_344] : memref<1280x32xf32, #tpu.memory_space<vmem>> -> memref<128x32xf32, #tpu.memory_space<vmem>>
        %dma_start3A_346 = tpu.memref_slice %arg5[%add3A_342] : memref<25600xi32, #tpu.memory_space<vmem>> -> memref<128xi32, #tpu.memory_space<vmem>>
        %dma_start3A_347 = arith.constant 0 : i32
        %dma_start3A_348 = arith.constant 0 : i32
        %dma_start3A_349 = tpu.memref_slice %arg3[%dma_start3A_347, %dma_start3A_348] : memref<1000000x32xf32, #tpu.memory_space<hbm>> -> memref<1000000x32xf32, #tpu.memory_space<hbm>>
        tpu.enqueue_indirect_dma source(%dma_start3A_349 : memref<1000000x32xf32, #tpu.memory_space<hbm>>) target(%dma_start3A_345 : memref<128x32xf32, #tpu.memory_space<vmem>>) offsets(%dma_start3A_346 : memref<128xi32, #tpu.memory_space<vmem>>) semaphore(%arg9 : memref<!tpu.dma_semaphore, #tpu.memory_space<semaphore_mem>>)
        %add3A_350 = arith.constant 128 : i32
        %add3A_351 = arith.addi %mul3A_340, %add3A_350 : i32
        %dma_start3A_352 = arith.constant 128 : i32
        %dma_start3A_353 = arith.constant 0 : i32
        %dma_start3A_354 = tpu.memref_slice %arg7[%dma_start3A_352, %dma_start3A_353] : memref<1280x32xf32, #tpu.memory_space<vmem>> -> memref<128x32xf32, #tpu.memory_space<vmem>>
        %dma_start3A_355 = tpu.memref_slice %arg5[%add3A_351] : memref<25600xi32, #tpu.memory_space<vmem>> -> memref<128xi32, #tpu.memory_space<vmem>>
        %dma_start3A_356 = arith.constant 0 : i32
        %dma_start3A_357 = arith.constant 0 : i32
        %dma_start3A_358 = tpu.memref_slice %arg3[%dma_start3A_356, %dma_start3A_357] : memref<1000000x32xf32, #tpu.memory_space<hbm>> -> memref<1000000x32xf32, #tpu.memory_space<hbm>>
        tpu.enqueue_indirect_dma source(%dma_start3A_358 : memref<1000000x32xf32, #tpu.memory_space<hbm>>) target(%dma_start3A_354 : memref<128x32xf32, #tpu.memory_space<vmem>>) offsets(%dma_start3A_355 : memref<128xi32, #tpu.memory_space<vmem>>) semaphore(%arg9 : memref<!tpu.dma_semaphore, #tpu.memory_space<semaphore_mem>>)
        %add3A_359 = arith.constant 256 : i32
        %add3A_360 = arith.addi %mul3A_340, %add3A_359 : i32
        %dma_start3A_361 = arith.constant 256 : i32
        %dma_start3A_362 = arith.constant 0 : i32
        %dma_start3A_363 = tpu.memref_slice %arg7[%dma_start3A_361, %dma_start3A_362] : memref<1280x32xf32, #tpu.memory_space<vmem>> -> memref<128x32xf32, #tpu.memory_space<vmem>>
        %dma_start3A_364 = tpu.memref_slice %arg5[%add3A_360] : memref<25600xi32, #tpu.memory_space<vmem>> -> memref<128xi32, #tpu.memory_space<vmem>>
        %dma_start3A_365 = arith.constant 0 : i32
        %dma_start3A_366 = arith.constant 0 : i32
        %dma_start3A_367 = tpu.memref_slice %arg3[%dma_start3A_365, %dma_start3A_366] : memref<1000000x32xf32, #tpu.memory_space<hbm>> -> memref<1000000x32xf32, #tpu.memory_space<hbm>>
        tpu.enqueue_indirect_dma source(%dma_start3A_367 : memref<1000000x32xf32, #tpu.memory_space<hbm>>) target(%dma_start3A_363 : memref<128x32xf32, #tpu.memory_space<vmem>>) offsets(%dma_start3A_364 : memref<128xi32, #tpu.memory_space<vmem>>) semaphore(%arg9 : memref<!tpu.dma_semaphore, #tpu.memory_space<semaphore_mem>>)
        %add3A_368 = arith.constant 384 : i32
        %add3A_369 = arith.addi %mul3A_340, %add3A_368 : i32
        %dma_start3A_370 = arith.constant 384 : i32
        %dma_start3A_371 = arith.constant 0 : i32
        %dma_start3A_372 = tpu.memref_slice %arg7[%dma_start3A_370, %dma_start3A_371] : memref<1280x32xf32, #tpu.memory_space<vmem>> -> memref<128x32xf32, #tpu.memory_space<vmem>>
        %dma_start3A_373 = tpu.memref_slice %arg5[%add3A_369] : memref<25600xi32, #tpu.memory_space<vmem>> -> memref<128xi32, #tpu.memory_space<vmem>>
        %dma_start3A_374 = arith.constant 0 : i32
        %dma_start3A_375 = arith.constant 0 : i32
        %dma_start3A_376 = tpu.memref_slice %arg3[%dma_start3A_374, %dma_start3A_375] : memref<1000000x32xf32, #tpu.memory_space<hbm>> -> memref<1000000x32xf32, #tpu.memory_space<hbm>>
        tpu.enqueue_indirect_dma source(%dma_start3A_376 : memref<1000000x32xf32, #tpu.memory_space<hbm>>) target(%dma_start3A_372 : memref<128x32xf32, #tpu.memory_space<vmem>>) offsets(%dma_start3A_373 : memref<128xi32, #tpu.memory_space<vmem>>) semaphore(%arg9 : memref<!tpu.dma_semaphore, #tpu.memory_space<semaphore_mem>>)
        %add3A_377 = arith.constant 512 : i32
        %add3A_378 = arith.addi %mul3A_340, %add3A_377 : i32
        %dma_start3A_379 = arith.constant 512 : i32
        %dma_start3A_380 = arith.constant 0 : i32
        %dma_start3A_381 = tpu.memref_slice %arg7[%dma_start3A_379, %dma_start3A_380] : memref<1280x32xf32, #tpu.memory_space<vmem>> -> memref<128x32xf32, #tpu.memory_space<vmem>>
        %dma_start3A_382 = tpu.memref_slice %arg5[%add3A_378] : memref<25600xi32, #tpu.memory_space<vmem>> -> memref<128xi32, #tpu.memory_space<vmem>>
        %dma_start3A_383 = arith.constant 0 : i32
        %dma_start3A_384 = arith.constant 0 : i32
        %dma_start3A_385 = tpu.memref_slice %arg3[%dma_start3A_383, %dma_start3A_384] : memref<1000000x32xf32, #tpu.memory_space<hbm>> -> memref<1000000x32xf32, #tpu.memory_space<hbm>>
        tpu.enqueue_indirect_dma source(%dma_start3A_385 : memref<1000000x32xf32, #tpu.memory_space<hbm>>) target(%dma_start3A_381 : memref<128x32xf32, #tpu.memory_space<vmem>>) offsets(%dma_start3A_382 : memref<128xi32, #tpu.memory_space<vmem>>) semaphore(%arg9 : memref<!tpu.dma_semaphore, #tpu.memory_space<semaphore_mem>>)
        %add3A_386 = arith.constant 640 : i32
        %add3A_387 = arith.addi %mul3A_340, %add3A_386 : i32
        %dma_start3A_388 = arith.constant 640 : i32
        %dma_start3A_389 = arith.constant 0 : i32
        %dma_start3A_390 = tpu.memref_slice %arg7[%dma_start3A_388, %dma_start3A_389] : memref<1280x32xf32, #tpu.memory_space<vmem>> -> memref<128x32xf32, #tpu.memory_space<vmem>>
        %dma_start3A_391 = tpu.memref_slice %arg5[%add3A_387] : memref<25600xi32, #tpu.memory_space<vmem>> -> memref<128xi32, #tpu.memory_space<vmem>>
        %dma_start3A_392 = arith.constant 0 : i32
        %dma_start3A_393 = arith.constant 0 : i32
        %dma_start3A_394 = tpu.memref_slice %arg3[%dma_start3A_392, %dma_start3A_393] : memref<1000000x32xf32, #tpu.memory_space<hbm>> -> memref<1000000x32xf32, #tpu.memory_space<hbm>>
        tpu.enqueue_indirect_dma source(%dma_start3A_394 : memref<1000000x32xf32, #tpu.memory_space<hbm>>) target(%dma_start3A_390 : memref<128x32xf32, #tpu.memory_space<vmem>>) offsets(%dma_start3A_391 : memref<128xi32, #tpu.memory_space<vmem>>) semaphore(%arg9 : memref<!tpu.dma_semaphore, #tpu.memory_space<semaphore_mem>>)
        %add3A_395 = arith.constant 768 : i32
        %add3A_396 = arith.addi %mul3A_340, %add3A_395 : i32
        %dma_start3A_397 = arith.constant 768 : i32
        %dma_start3A_398 = arith.constant 0 : i32
        %dma_start3A_399 = tpu.memref_slice %arg7[%dma_start3A_397, %dma_start3A_398] : memref<1280x32xf32, #tpu.memory_space<vmem>> -> memref<128x32xf32, #tpu.memory_space<vmem>>
        %dma_start3A_400 = tpu.memref_slice %arg5[%add3A_396] : memref<25600xi32, #tpu.memory_space<vmem>> -> memref<128xi32, #tpu.memory_space<vmem>>
        %dma_start3A_401 = arith.constant 0 : i32
        %dma_start3A_402 = arith.constant 0 : i32
        %dma_start3A_403 = tpu.memref_slice %arg3[%dma_start3A_401, %dma_start3A_402] : memref<1000000x32xf32, #tpu.memory_space<hbm>> -> memref<1000000x32xf32, #tpu.memory_space<hbm>>
        tpu.enqueue_indirect_dma source(%dma_start3A_403 : memref<1000000x32xf32, #tpu.memory_space<hbm>>) target(%dma_start3A_399 : memref<128x32xf32, #tpu.memory_space<vmem>>) offsets(%dma_start3A_400 : memref<128xi32, #tpu.memory_space<vmem>>) semaphore(%arg9 : memref<!tpu.dma_semaphore, #tpu.memory_space<semaphore_mem>>)
        %add3A_404 = arith.constant 896 : i32
        %add3A_405 = arith.addi %mul3A_340, %add3A_404 : i32
        %dma_start3A_406 = arith.constant 896 : i32
        %dma_start3A_407 = arith.constant 0 : i32
        %dma_start3A_408 = tpu.memref_slice %arg7[%dma_start3A_406, %dma_start3A_407] : memref<1280x32xf32, #tpu.memory_space<vmem>> -> memref<128x32xf32, #tpu.memory_space<vmem>>
        %dma_start3A_409 = tpu.memref_slice %arg5[%add3A_405] : memref<25600xi32, #tpu.memory_space<vmem>> -> memref<128xi32, #tpu.memory_space<vmem>>
        %dma_start3A_410 = arith.constant 0 : i32
        %dma_start3A_411 = arith.constant 0 : i32
        %dma_start3A_412 = tpu.memref_slice %arg3[%dma_start3A_410, %dma_start3A_411] : memref<1000000x32xf32, #tpu.memory_space<hbm>> -> memref<1000000x32xf32, #tpu.memory_space<hbm>>
        tpu.enqueue_indirect_dma source(%dma_start3A_412 : memref<1000000x32xf32, #tpu.memory_space<hbm>>) target(%dma_start3A_408 : memref<128x32xf32, #tpu.memory_space<vmem>>) offsets(%dma_start3A_409 : memref<128xi32, #tpu.memory_space<vmem>>) semaphore(%arg9 : memref<!tpu.dma_semaphore, #tpu.memory_space<semaphore_mem>>)
        %add3A_413 = arith.constant 1024 : i32
        %add3A_414 = arith.addi %mul3A_340, %add3A_413 : i32
        %dma_start3A_415 = arith.constant 1024 : i32
        %dma_start3A_416 = arith.constant 0 : i32
        %dma_start3A_417 = tpu.memref_slice %arg7[%dma_start3A_415, %dma_start3A_416] : memref<1280x32xf32, #tpu.memory_space<vmem>> -> memref<128x32xf32, #tpu.memory_space<vmem>>
        %dma_start3A_418 = tpu.memref_slice %arg5[%add3A_414] : memref<25600xi32, #tpu.memory_space<vmem>> -> memref<128xi32, #tpu.memory_space<vmem>>
        %dma_start3A_419 = arith.constant 0 : i32
        %dma_start3A_420 = arith.constant 0 : i32
        %dma_start3A_421 = tpu.memref_slice %arg3[%dma_start3A_419, %dma_start3A_420] : memref<1000000x32xf32, #tpu.memory_space<hbm>> -> memref<1000000x32xf32, #tpu.memory_space<hbm>>
        tpu.enqueue_indirect_dma source(%dma_start3A_421 : memref<1000000x32xf32, #tpu.memory_space<hbm>>) target(%dma_start3A_417 : memref<128x32xf32, #tpu.memory_space<vmem>>) offsets(%dma_start3A_418 : memref<128xi32, #tpu.memory_space<vmem>>) semaphore(%arg9 : memref<!tpu.dma_semaphore, #tpu.memory_space<semaphore_mem>>)
        %add3A_422 = arith.constant 1152 : i32
        %add3A_423 = arith.addi %mul3A_340, %add3A_422 : i32
        %dma_start3A_424 = arith.constant 1152 : i32
        %dma_start3A_425 = arith.constant 0 : i32
        %dma_start3A_426 = tpu.memref_slice %arg7[%dma_start3A_424, %dma_start3A_425] : memref<1280x32xf32, #tpu.memory_space<vmem>> -> memref<128x32xf32, #tpu.memory_space<vmem>>
        %dma_start3A_427 = tpu.memref_slice %arg5[%add3A_423] : memref<25600xi32, #tpu.memory_space<vmem>> -> memref<128xi32, #tpu.memory_space<vmem>>
        %dma_start3A_428 = arith.constant 0 : i32
        %dma_start3A_429 = arith.constant 0 : i32
        %dma_start3A_430 = tpu.memref_slice %arg3[%dma_start3A_428, %dma_start3A_429] : memref<1000000x32xf32, #tpu.memory_space<hbm>> -> memref<1000000x32xf32, #tpu.memory_space<hbm>>
        tpu.enqueue_indirect_dma source(%dma_start3A_430 : memref<1000000x32xf32, #tpu.memory_space<hbm>>) target(%dma_start3A_426 : memref<128x32xf32, #tpu.memory_space<vmem>>) offsets(%dma_start3A_427 : memref<128xi32, #tpu.memory_space<vmem>>) semaphore(%arg9 : memref<!tpu.dma_semaphore, #tpu.memory_space<semaphore_mem>>)
      } else {
      }
      %dma_wait3A_106 = arith.constant 0 : i32
      %dma_wait3A_107 = arith.constant 0 : i32
      %dma_wait3A_108 = tpu.memref_slice %arg6[%dma_wait3A_106, %dma_wait3A_107] : memref<1280x32xf32, #tpu.memory_space<vmem>> -> memref<128x32xf32, #tpu.memory_space<vmem>>
      %dma_wait3A_109 = arith.constant 0 : i32
      %dma_wait3A_110 = tpu.memref_slice %arg4[%mul3A_2, %dma_wait3A_109] : memref<819200x128xf32, #tpu.memory_space<hbm>> -> memref<128x32xf32, #tpu.memory_space<hbm>>
      %dma_wait3A_111 = arith.constant 0 : i32
      %dma_wait3A_112 = arith.constant 0 : i32
      %dma_wait3A_113 = tpu.memref_slice %arg6[%dma_wait3A_111, %dma_wait3A_112] : memref<1280x32xf32, #tpu.memory_space<vmem>> -> memref<128x32xf32, #tpu.memory_space<vmem>>
      %dma_wait3A_114 = arith.constant 0 : i32
      %dma_wait3A_115 = tpu.memref_slice %arg4[%mul3A_2, %dma_wait3A_114] : memref<819200x128xf32, #tpu.memory_space<hbm>> -> memref<128x32xf32, #tpu.memory_space<hbm>>
      tpu.wait_dma2 semaphore(%arg8 : memref<!tpu.dma_semaphore, #tpu.memory_space<semaphore_mem>>) src(%dma_wait3A_115 : memref<128x32xf32, #tpu.memory_space<hbm>>) dst(%dma_wait3A_113 : memref<128x32xf32, #tpu.memory_space<vmem>>)
      %dma_wait3A_116 = arith.constant 128 : i32
      %dma_wait3A_117 = arith.constant 0 : i32
      %dma_wait3A_118 = tpu.memref_slice %arg6[%dma_wait3A_116, %dma_wait3A_117] : memref<1280x32xf32, #tpu.memory_space<vmem>> -> memref<128x32xf32, #tpu.memory_space<vmem>>
      %dma_wait3A_119 = arith.constant 0 : i32
      %dma_wait3A_120 = tpu.memref_slice %arg4[%mul3A_2, %dma_wait3A_119] : memref<819200x128xf32, #tpu.memory_space<hbm>> -> memref<128x32xf32, #tpu.memory_space<hbm>>
      %dma_wait3A_121 = arith.constant 128 : i32
      %dma_wait3A_122 = arith.constant 0 : i32
      %dma_wait3A_123 = tpu.memref_slice %arg6[%dma_wait3A_121, %dma_wait3A_122] : memref<1280x32xf32, #tpu.memory_space<vmem>> -> memref<128x32xf32, #tpu.memory_space<vmem>>
      %dma_wait3A_124 = arith.constant 0 : i32
      %dma_wait3A_125 = tpu.memref_slice %arg4[%mul3A_2, %dma_wait3A_124] : memref<819200x128xf32, #tpu.memory_space<hbm>> -> memref<128x32xf32, #tpu.memory_space<hbm>>
      tpu.wait_dma2 semaphore(%arg8 : memref<!tpu.dma_semaphore, #tpu.memory_space<semaphore_mem>>) src(%dma_wait3A_125 : memref<128x32xf32, #tpu.memory_space<hbm>>) dst(%dma_wait3A_123 : memref<128x32xf32, #tpu.memory_space<vmem>>)
      %dma_wait3A_126 = arith.constant 256 : i32
      %dma_wait3A_127 = arith.constant 0 : i32
      %dma_wait3A_128 = tpu.memref_slice %arg6[%dma_wait3A_126, %dma_wait3A_127] : memref<1280x32xf32, #tpu.memory_space<vmem>> -> memref<128x32xf32, #tpu.memory_space<vmem>>
      %dma_wait3A_129 = arith.constant 0 : i32
      %dma_wait3A_130 = tpu.memref_slice %arg4[%mul3A_2, %dma_wait3A_129] : memref<819200x128xf32, #tpu.memory_space<hbm>> -> memref<128x32xf32, #tpu.memory_space<hbm>>
      %dma_wait3A_131 = arith.constant 256 : i32
      %dma_wait3A_132 = arith.constant 0 : i32
      %dma_wait3A_133 = tpu.memref_slice %arg6[%dma_wait3A_131, %dma_wait3A_132] : memref<1280x32xf32, #tpu.memory_space<vmem>> -> memref<128x32xf32, #tpu.memory_space<vmem>>
      %dma_wait3A_134 = arith.constant 0 : i32
      %dma_wait3A_135 = tpu.memref_slice %arg4[%mul3A_2, %dma_wait3A_134] : memref<819200x128xf32, #tpu.memory_space<hbm>> -> memref<128x32xf32, #tpu.memory_space<hbm>>
      tpu.wait_dma2 semaphore(%arg8 : memref<!tpu.dma_semaphore, #tpu.memory_space<semaphore_mem>>) src(%dma_wait3A_135 : memref<128x32xf32, #tpu.memory_space<hbm>>) dst(%dma_wait3A_133 : memref<128x32xf32, #tpu.memory_space<vmem>>)
      %dma_wait3A_136 = arith.constant 384 : i32
      %dma_wait3A_137 = arith.constant 0 : i32
      %dma_wait3A_138 = tpu.memref_slice %arg6[%dma_wait3A_136, %dma_wait3A_137] : memref<1280x32xf32, #tpu.memory_space<vmem>> -> memref<128x32xf32, #tpu.memory_space<vmem>>
      %dma_wait3A_139 = arith.constant 0 : i32
      %dma_wait3A_140 = tpu.memref_slice %arg4[%mul3A_2, %dma_wait3A_139] : memref<819200x128xf32, #tpu.memory_space<hbm>> -> memref<128x32xf32, #tpu.memory_space<hbm>>
      %dma_wait3A_141 = arith.constant 384 : i32
      %dma_wait3A_142 = arith.constant 0 : i32
      %dma_wait3A_143 = tpu.memref_slice %arg6[%dma_wait3A_141, %dma_wait3A_142] : memref<1280x32xf32, #tpu.memory_space<vmem>> -> memref<128x32xf32, #tpu.memory_space<vmem>>
      %dma_wait3A_144 = arith.constant 0 : i32
      %dma_wait3A_145 = tpu.memref_slice %arg4[%mul3A_2, %dma_wait3A_144] : memref<819200x128xf32, #tpu.memory_space<hbm>> -> memref<128x32xf32, #tpu.memory_space<hbm>>
      tpu.wait_dma2 semaphore(%arg8 : memref<!tpu.dma_semaphore, #tpu.memory_space<semaphore_mem>>) src(%dma_wait3A_145 : memref<128x32xf32, #tpu.memory_space<hbm>>) dst(%dma_wait3A_143 : memref<128x32xf32, #tpu.memory_space<vmem>>)
      %dma_wait3A_146 = arith.constant 512 : i32
      %dma_wait3A_147 = arith.constant 0 : i32
      %dma_wait3A_148 = tpu.memref_slice %arg6[%dma_wait3A_146, %dma_wait3A_147] : memref<1280x32xf32, #tpu.memory_space<vmem>> -> memref<128x32xf32, #tpu.memory_space<vmem>>
      %dma_wait3A_149 = arith.constant 0 : i32
      %dma_wait3A_150 = tpu.memref_slice %arg4[%mul3A_2, %dma_wait3A_149] : memref<819200x128xf32, #tpu.memory_space<hbm>> -> memref<128x32xf32, #tpu.memory_space<hbm>>
      %dma_wait3A_151 = arith.constant 512 : i32
      %dma_wait3A_152 = arith.constant 0 : i32
      %dma_wait3A_153 = tpu.memref_slice %arg6[%dma_wait3A_151, %dma_wait3A_152] : memref<1280x32xf32, #tpu.memory_space<vmem>> -> memref<128x32xf32, #tpu.memory_space<vmem>>
      %dma_wait3A_154 = arith.constant 0 : i32
      %dma_wait3A_155 = tpu.memref_slice %arg4[%mul3A_2, %dma_wait3A_154] : memref<819200x128xf32, #tpu.memory_space<hbm>> -> memref<128x32xf32, #tpu.memory_space<hbm>>
      tpu.wait_dma2 semaphore(%arg8 : memref<!tpu.dma_semaphore, #tpu.memory_space<semaphore_mem>>) src(%dma_wait3A_155 : memref<128x32xf32, #tpu.memory_space<hbm>>) dst(%dma_wait3A_153 : memref<128x32xf32, #tpu.memory_space<vmem>>)
      %dma_wait3A_156 = arith.constant 640 : i32
      %dma_wait3A_157 = arith.constant 0 : i32
      %dma_wait3A_158 = tpu.memref_slice %arg6[%dma_wait3A_156, %dma_wait3A_157] : memref<1280x32xf32, #tpu.memory_space<vmem>> -> memref<128x32xf32, #tpu.memory_space<vmem>>
      %dma_wait3A_159 = arith.constant 0 : i32
      %dma_wait3A_160 = tpu.memref_slice %arg4[%mul3A_2, %dma_wait3A_159] : memref<819200x128xf32, #tpu.memory_space<hbm>> -> memref<128x32xf32, #tpu.memory_space<hbm>>
      %dma_wait3A_161 = arith.constant 640 : i32
      %dma_wait3A_162 = arith.constant 0 : i32
      %dma_wait3A_163 = tpu.memref_slice %arg6[%dma_wait3A_161, %dma_wait3A_162] : memref<1280x32xf32, #tpu.memory_space<vmem>> -> memref<128x32xf32, #tpu.memory_space<vmem>>
      %dma_wait3A_164 = arith.constant 0 : i32
      %dma_wait3A_165 = tpu.memref_slice %arg4[%mul3A_2, %dma_wait3A_164] : memref<819200x128xf32, #tpu.memory_space<hbm>> -> memref<128x32xf32, #tpu.memory_space<hbm>>
      tpu.wait_dma2 semaphore(%arg8 : memref<!tpu.dma_semaphore, #tpu.memory_space<semaphore_mem>>) src(%dma_wait3A_165 : memref<128x32xf32, #tpu.memory_space<hbm>>) dst(%dma_wait3A_163 : memref<128x32xf32, #tpu.memory_space<vmem>>)
      %dma_wait3A_166 = arith.constant 768 : i32
      %dma_wait3A_167 = arith.constant 0 : i32
      %dma_wait3A_168 = tpu.memref_slice %arg6[%dma_wait3A_166, %dma_wait3A_167] : memref<1280x32xf32, #tpu.memory_space<vmem>> -> memref<128x32xf32, #tpu.memory_space<vmem>>
      %dma_wait3A_169 = arith.constant 0 : i32
      %dma_wait3A_170 = tpu.memref_slice %arg4[%mul3A_2, %dma_wait3A_169] : memref<819200x128xf32, #tpu.memory_space<hbm>> -> memref<128x32xf32, #tpu.memory_space<hbm>>
      %dma_wait3A_171 = arith.constant 768 : i32
      %dma_wait3A_172 = arith.constant 0 : i32
      %dma_wait3A_173 = tpu.memref_slice %arg6[%dma_wait3A_171, %dma_wait3A_172] : memref<1280x32xf32, #tpu.memory_space<vmem>> -> memref<128x32xf32, #tpu.memory_space<vmem>>
      %dma_wait3A_174 = arith.constant 0 : i32
      %dma_wait3A_175 = tpu.memref_slice %arg4[%mul3A_2, %dma_wait3A_174] : memref<819200x128xf32, #tpu.memory_space<hbm>> -> memref<128x32xf32, #tpu.memory_space<hbm>>
      tpu.wait_dma2 semaphore(%arg8 : memref<!tpu.dma_semaphore, #tpu.memory_space<semaphore_mem>>) src(%dma_wait3A_175 : memref<128x32xf32, #tpu.memory_space<hbm>>) dst(%dma_wait3A_173 : memref<128x32xf32, #tpu.memory_space<vmem>>)
      %dma_wait3A_176 = arith.constant 896 : i32
      %dma_wait3A_177 = arith.constant 0 : i32
      %dma_wait3A_178 = tpu.memref_slice %arg6[%dma_wait3A_176, %dma_wait3A_177] : memref<1280x32xf32, #tpu.memory_space<vmem>> -> memref<128x32xf32, #tpu.memory_space<vmem>>
      %dma_wait3A_179 = arith.constant 0 : i32
      %dma_wait3A_180 = tpu.memref_slice %arg4[%mul3A_2, %dma_wait3A_179] : memref<819200x128xf32, #tpu.memory_space<hbm>> -> memref<128x32xf32, #tpu.memory_space<hbm>>
      %dma_wait3A_181 = arith.constant 896 : i32
      %dma_wait3A_182 = arith.constant 0 : i32
      %dma_wait3A_183 = tpu.memref_slice %arg6[%dma_wait3A_181, %dma_wait3A_182] : memref<1280x32xf32, #tpu.memory_space<vmem>> -> memref<128x32xf32, #tpu.memory_space<vmem>>
      %dma_wait3A_184 = arith.constant 0 : i32
      %dma_wait3A_185 = tpu.memref_slice %arg4[%mul3A_2, %dma_wait3A_184] : memref<819200x128xf32, #tpu.memory_space<hbm>> -> memref<128x32xf32, #tpu.memory_space<hbm>>
      tpu.wait_dma2 semaphore(%arg8 : memref<!tpu.dma_semaphore, #tpu.memory_space<semaphore_mem>>) src(%dma_wait3A_185 : memref<128x32xf32, #tpu.memory_space<hbm>>) dst(%dma_wait3A_183 : memref<128x32xf32, #tpu.memory_space<vmem>>)
      %dma_wait3A_186 = arith.constant 1024 : i32
      %dma_wait3A_187 = arith.constant 0 : i32
      %dma_wait3A_188 = tpu.memref_slice %arg6[%dma_wait3A_186, %dma_wait3A_187] : memref<1280x32xf32, #tpu.memory_space<vmem>> -> memref<128x32xf32, #tpu.memory_space<vmem>>
      %dma_wait3A_189 = arith.constant 0 : i32
      %dma_wait3A_190 = tpu.memref_slice %arg4[%mul3A_2, %dma_wait3A_189] : memref<819200x128xf32, #tpu.memory_space<hbm>> -> memref<128x32xf32, #tpu.memory_space<hbm>>
      %dma_wait3A_191 = arith.constant 1024 : i32
      %dma_wait3A_192 = arith.constant 0 : i32
      %dma_wait3A_193 = tpu.memref_slice %arg6[%dma_wait3A_191, %dma_wait3A_192] : memref<1280x32xf32, #tpu.memory_space<vmem>> -> memref<128x32xf32, #tpu.memory_space<vmem>>
      %dma_wait3A_194 = arith.constant 0 : i32
      %dma_wait3A_195 = tpu.memref_slice %arg4[%mul3A_2, %dma_wait3A_194] : memref<819200x128xf32, #tpu.memory_space<hbm>> -> memref<128x32xf32, #tpu.memory_space<hbm>>
      tpu.wait_dma2 semaphore(%arg8 : memref<!tpu.dma_semaphore, #tpu.memory_space<semaphore_mem>>) src(%dma_wait3A_195 : memref<128x32xf32, #tpu.memory_space<hbm>>) dst(%dma_wait3A_193 : memref<128x32xf32, #tpu.memory_space<vmem>>)
      %dma_wait3A_196 = arith.constant 1152 : i32
      %dma_wait3A_197 = arith.constant 0 : i32
      %dma_wait3A_198 = tpu.memref_slice %arg6[%dma_wait3A_196, %dma_wait3A_197] : memref<1280x32xf32, #tpu.memory_space<vmem>> -> memref<128x32xf32, #tpu.memory_space<vmem>>
      %dma_wait3A_199 = arith.constant 0 : i32
      %dma_wait3A_200 = tpu.memref_slice %arg4[%mul3A_2, %dma_wait3A_199] : memref<819200x128xf32, #tpu.memory_space<hbm>> -> memref<128x32xf32, #tpu.memory_space<hbm>>
      %dma_wait3A_201 = arith.constant 1152 : i32
      %dma_wait3A_202 = arith.constant 0 : i32
      %dma_wait3A_203 = tpu.memref_slice %arg6[%dma_wait3A_201, %dma_wait3A_202] : memref<1280x32xf32, #tpu.memory_space<vmem>> -> memref<128x32xf32, #tpu.memory_space<vmem>>
      %dma_wait3A_204 = arith.constant 0 : i32
      %dma_wait3A_205 = tpu.memref_slice %arg4[%mul3A_2, %dma_wait3A_204] : memref<819200x128xf32, #tpu.memory_space<hbm>> -> memref<128x32xf32, #tpu.memory_space<hbm>>
      tpu.wait_dma2 semaphore(%arg8 : memref<!tpu.dma_semaphore, #tpu.memory_space<semaphore_mem>>) src(%dma_wait3A_205 : memref<128x32xf32, #tpu.memory_space<hbm>>) dst(%dma_wait3A_203 : memref<128x32xf32, #tpu.memory_space<vmem>>)
      %mul3A_206 = arith.constant 1280 : i32
      %mul3A_207 = arith.muli %add3A_101, %mul3A_206 : i32
      %add3A_208 = arith.addi %mul3A_2, %mul3A_207 : i32
      %dma_start3A_209 = arith.constant 0 : i32
      %dma_start3A_210 = tpu.memref_slice %arg4[%add3A_208, %dma_start3A_209] : memref<819200x128xf32, #tpu.memory_space<hbm>> -> memref<1280x32xf32, #tpu.memory_space<hbm>>
      %dma_start3A_211 = arith.constant 0 : i32
      %dma_start3A_212 = tpu.memref_slice %arg4[%add3A_208, %dma_start3A_211] : memref<819200x128xf32, #tpu.memory_space<hbm>> -> memref<1280x32xf32, #tpu.memory_space<hbm>>
      tpu.enqueue_dma source(%arg6 : memref<1280x32xf32, #tpu.memory_space<vmem>>) target(%dma_start3A_212 : memref<1280x32xf32, #tpu.memory_space<hbm>>) target_semaphore(%arg10 : memref<!tpu.dma_semaphore, #tpu.memory_space<semaphore_mem>>)
      %mul3A_213 = arith.constant 2 : i32
      %mul3A_214 = arith.muli %add3A_97, %mul3A_213 : i32
      %add3A_215 = arith.constant 1 : i32
      %add3A_216 = arith.addi %mul3A_214, %add3A_215 : i32
      %add3A_217 = arith.constant 1 : i32
      %add3A_218 = arith.addi %add3A_216, %add3A_217 : i32
      %lt3A_219 = arith.constant 20 : i32
      %lt3A_220 = arith.cmpi slt, %add3A_218, %lt3A_219 : i32
      %convert_element_type3A_221 = arith.extui %lt3A_220 : i1 to i32
      %cond3A_222 = arith.constant 0 : i32
      %cond3A_223 = arith.cmpi ne, %convert_element_type3A_221, %cond3A_222 : i32
      scf.if %cond3A_223 {
        %add3A_331 = arith.constant 1 : i32
        %add3A_332 = arith.addi %add3A_216, %add3A_331 : i32
        %ge3A = arith.constant 2 : i32
        %ge3A_333 = arith.cmpi sge, %add3A_332, %ge3A : i32
        %convert_element_type3A_334 = arith.extui %ge3A_333 : i1 to i32
        %cond3A_335 = arith.constant 0 : i32
        %cond3A_336 = arith.cmpi ne, %convert_element_type3A_334, %cond3A_335 : i32
        scf.if %cond3A_336 {
          %dma_wait3A_431 = arith.constant 0 : i32
          %dma_wait3A_432 = tpu.memref_slice %arg4[%mul3A_2, %dma_wait3A_431] : memref<819200x128xf32, #tpu.memory_space<hbm>> -> memref<1280x32xf32, #tpu.memory_space<hbm>>
          %dma_wait3A_433 = arith.constant 0 : i32
          %dma_wait3A_434 = tpu.memref_slice %arg4[%mul3A_2, %dma_wait3A_433] : memref<819200x128xf32, #tpu.memory_space<hbm>> -> memref<1280x32xf32, #tpu.memory_space<hbm>>
          tpu.wait_dma2 semaphore(%arg10 : memref<!tpu.dma_semaphore, #tpu.memory_space<semaphore_mem>>) src(%arg6 : memref<1280x32xf32, #tpu.memory_space<vmem>>) dst(%dma_wait3A_434 : memref<1280x32xf32, #tpu.memory_space<hbm>>)
        } else {
        }
        %add3A_337 = arith.constant 1 : i32
        %add3A_338 = arith.addi %add3A_216, %add3A_337 : i32
        %mul3A_339 = arith.constant 1280 : i32
        %mul3A_340 = arith.muli %add3A_338, %mul3A_339 : i32
        %add3A_341 = arith.constant 0 : i32
        %add3A_342 = arith.addi %mul3A_340, %add3A_341 : i32
        %dma_start3A_343 = arith.constant 0 : i32
        %dma_start3A_344 = arith.constant 0 : i32
        %dma_start3A_345 = tpu.memref_slice %arg6[%dma_start3A_343, %dma_start3A_344] : memref<1280x32xf32, #tpu.memory_space<vmem>> -> memref<128x32xf32, #tpu.memory_space<vmem>>
        %dma_start3A_346 = tpu.memref_slice %arg5[%add3A_342] : memref<25600xi32, #tpu.memory_space<vmem>> -> memref<128xi32, #tpu.memory_space<vmem>>
        %dma_start3A_347 = arith.constant 0 : i32
        %dma_start3A_348 = arith.constant 0 : i32
        %dma_start3A_349 = tpu.memref_slice %arg3[%dma_start3A_347, %dma_start3A_348] : memref<1000000x32xf32, #tpu.memory_space<hbm>> -> memref<1000000x32xf32, #tpu.memory_space<hbm>>
        tpu.enqueue_indirect_dma source(%dma_start3A_349 : memref<1000000x32xf32, #tpu.memory_space<hbm>>) target(%dma_start3A_345 : memref<128x32xf32, #tpu.memory_space<vmem>>) offsets(%dma_start3A_346 : memref<128xi32, #tpu.memory_space<vmem>>) semaphore(%arg8 : memref<!tpu.dma_semaphore, #tpu.memory_space<semaphore_mem>>)
        %add3A_350 = arith.constant 128 : i32
        %add3A_351 = arith.addi %mul3A_340, %add3A_350 : i32
        %dma_start3A_352 = arith.constant 128 : i32
        %dma_start3A_353 = arith.constant 0 : i32
        %dma_start3A_354 = tpu.memref_slice %arg6[%dma_start3A_352, %dma_start3A_353] : memref<1280x32xf32, #tpu.memory_space<vmem>> -> memref<128x32xf32, #tpu.memory_space<vmem>>
        %dma_start3A_355 = tpu.memref_slice %arg5[%add3A_351] : memref<25600xi32, #tpu.memory_space<vmem>> -> memref<128xi32, #tpu.memory_space<vmem>>
        %dma_start3A_356 = arith.constant 0 : i32
        %dma_start3A_357 = arith.constant 0 : i32
        %dma_start3A_358 = tpu.memref_slice %arg3[%dma_start3A_356, %dma_start3A_357] : memref<1000000x32xf32, #tpu.memory_space<hbm>> -> memref<1000000x32xf32, #tpu.memory_space<hbm>>
        tpu.enqueue_indirect_dma source(%dma_start3A_358 : memref<1000000x32xf32, #tpu.memory_space<hbm>>) target(%dma_start3A_354 : memref<128x32xf32, #tpu.memory_space<vmem>>) offsets(%dma_start3A_355 : memref<128xi32, #tpu.memory_space<vmem>>) semaphore(%arg8 : memref<!tpu.dma_semaphore, #tpu.memory_space<semaphore_mem>>)
        %add3A_359 = arith.constant 256 : i32
        %add3A_360 = arith.addi %mul3A_340, %add3A_359 : i32
        %dma_start3A_361 = arith.constant 256 : i32
        %dma_start3A_362 = arith.constant 0 : i32
        %dma_start3A_363 = tpu.memref_slice %arg6[%dma_start3A_361, %dma_start3A_362] : memref<1280x32xf32, #tpu.memory_space<vmem>> -> memref<128x32xf32, #tpu.memory_space<vmem>>
        %dma_start3A_364 = tpu.memref_slice %arg5[%add3A_360] : memref<25600xi32, #tpu.memory_space<vmem>> -> memref<128xi32, #tpu.memory_space<vmem>>
        %dma_start3A_365 = arith.constant 0 : i32
        %dma_start3A_366 = arith.constant 0 : i32
        %dma_start3A_367 = tpu.memref_slice %arg3[%dma_start3A_365, %dma_start3A_366] : memref<1000000x32xf32, #tpu.memory_space<hbm>> -> memref<1000000x32xf32, #tpu.memory_space<hbm>>
        tpu.enqueue_indirect_dma source(%dma_start3A_367 : memref<1000000x32xf32, #tpu.memory_space<hbm>>) target(%dma_start3A_363 : memref<128x32xf32, #tpu.memory_space<vmem>>) offsets(%dma_start3A_364 : memref<128xi32, #tpu.memory_space<vmem>>) semaphore(%arg8 : memref<!tpu.dma_semaphore, #tpu.memory_space<semaphore_mem>>)
        %add3A_368 = arith.constant 384 : i32
        %add3A_369 = arith.addi %mul3A_340, %add3A_368 : i32
        %dma_start3A_370 = arith.constant 384 : i32
        %dma_start3A_371 = arith.constant 0 : i32
        %dma_start3A_372 = tpu.memref_slice %arg6[%dma_start3A_370, %dma_start3A_371] : memref<1280x32xf32, #tpu.memory_space<vmem>> -> memref<128x32xf32, #tpu.memory_space<vmem>>
        %dma_start3A_373 = tpu.memref_slice %arg5[%add3A_369] : memref<25600xi32, #tpu.memory_space<vmem>> -> memref<128xi32, #tpu.memory_space<vmem>>
        %dma_start3A_374 = arith.constant 0 : i32
        %dma_start3A_375 = arith.constant 0 : i32
        %dma_start3A_376 = tpu.memref_slice %arg3[%dma_start3A_374, %dma_start3A_375] : memref<1000000x32xf32, #tpu.memory_space<hbm>> -> memref<1000000x32xf32, #tpu.memory_space<hbm>>
        tpu.enqueue_indirect_dma source(%dma_start3A_376 : memref<1000000x32xf32, #tpu.memory_space<hbm>>) target(%dma_start3A_372 : memref<128x32xf32, #tpu.memory_space<vmem>>) offsets(%dma_start3A_373 : memref<128xi32, #tpu.memory_space<vmem>>) semaphore(%arg8 : memref<!tpu.dma_semaphore, #tpu.memory_space<semaphore_mem>>)
        %add3A_377 = arith.constant 512 : i32
        %add3A_378 = arith.addi %mul3A_340, %add3A_377 : i32
        %dma_start3A_379 = arith.constant 512 : i32
        %dma_start3A_380 = arith.constant 0 : i32
        %dma_start3A_381 = tpu.memref_slice %arg6[%dma_start3A_379, %dma_start3A_380] : memref<1280x32xf32, #tpu.memory_space<vmem>> -> memref<128x32xf32, #tpu.memory_space<vmem>>
        %dma_start3A_382 = tpu.memref_slice %arg5[%add3A_378] : memref<25600xi32, #tpu.memory_space<vmem>> -> memref<128xi32, #tpu.memory_space<vmem>>
        %dma_start3A_383 = arith.constant 0 : i32
        %dma_start3A_384 = arith.constant 0 : i32
        %dma_start3A_385 = tpu.memref_slice %arg3[%dma_start3A_383, %dma_start3A_384] : memref<1000000x32xf32, #tpu.memory_space<hbm>> -> memref<1000000x32xf32, #tpu.memory_space<hbm>>
        tpu.enqueue_indirect_dma source(%dma_start3A_385 : memref<1000000x32xf32, #tpu.memory_space<hbm>>) target(%dma_start3A_381 : memref<128x32xf32, #tpu.memory_space<vmem>>) offsets(%dma_start3A_382 : memref<128xi32, #tpu.memory_space<vmem>>) semaphore(%arg8 : memref<!tpu.dma_semaphore, #tpu.memory_space<semaphore_mem>>)
        %add3A_386 = arith.constant 640 : i32
        %add3A_387 = arith.addi %mul3A_340, %add3A_386 : i32
        %dma_start3A_388 = arith.constant 640 : i32
        %dma_start3A_389 = arith.constant 0 : i32
        %dma_start3A_390 = tpu.memref_slice %arg6[%dma_start3A_388, %dma_start3A_389] : memref<1280x32xf32, #tpu.memory_space<vmem>> -> memref<128x32xf32, #tpu.memory_space<vmem>>
        %dma_start3A_391 = tpu.memref_slice %arg5[%add3A_387] : memref<25600xi32, #tpu.memory_space<vmem>> -> memref<128xi32, #tpu.memory_space<vmem>>
        %dma_start3A_392 = arith.constant 0 : i32
        %dma_start3A_393 = arith.constant 0 : i32
        %dma_start3A_394 = tpu.memref_slice %arg3[%dma_start3A_392, %dma_start3A_393] : memref<1000000x32xf32, #tpu.memory_space<hbm>> -> memref<1000000x32xf32, #tpu.memory_space<hbm>>
        tpu.enqueue_indirect_dma source(%dma_start3A_394 : memref<1000000x32xf32, #tpu.memory_space<hbm>>) target(%dma_start3A_390 : memref<128x32xf32, #tpu.memory_space<vmem>>) offsets(%dma_start3A_391 : memref<128xi32, #tpu.memory_space<vmem>>) semaphore(%arg8 : memref<!tpu.dma_semaphore, #tpu.memory_space<semaphore_mem>>)
        %add3A_395 = arith.constant 768 : i32
        %add3A_396 = arith.addi %mul3A_340, %add3A_395 : i32
        %dma_start3A_397 = arith.constant 768 : i32
        %dma_start3A_398 = arith.constant 0 : i32
        %dma_start3A_399 = tpu.memref_slice %arg6[%dma_start3A_397, %dma_start3A_398] : memref<1280x32xf32, #tpu.memory_space<vmem>> -> memref<128x32xf32, #tpu.memory_space<vmem>>
        %dma_start3A_400 = tpu.memref_slice %arg5[%add3A_396] : memref<25600xi32, #tpu.memory_space<vmem>> -> memref<128xi32, #tpu.memory_space<vmem>>
        %dma_start3A_401 = arith.constant 0 : i32
        %dma_start3A_402 = arith.constant 0 : i32
        %dma_start3A_403 = tpu.memref_slice %arg3[%dma_start3A_401, %dma_start3A_402] : memref<1000000x32xf32, #tpu.memory_space<hbm>> -> memref<1000000x32xf32, #tpu.memory_space<hbm>>
        tpu.enqueue_indirect_dma source(%dma_start3A_403 : memref<1000000x32xf32, #tpu.memory_space<hbm>>) target(%dma_start3A_399 : memref<128x32xf32, #tpu.memory_space<vmem>>) offsets(%dma_start3A_400 : memref<128xi32, #tpu.memory_space<vmem>>) semaphore(%arg8 : memref<!tpu.dma_semaphore, #tpu.memory_space<semaphore_mem>>)
        %add3A_404 = arith.constant 896 : i32
        %add3A_405 = arith.addi %mul3A_340, %add3A_404 : i32
        %dma_start3A_406 = arith.constant 896 : i32
        %dma_start3A_407 = arith.constant 0 : i32
        %dma_start3A_408 = tpu.memref_slice %arg6[%dma_start3A_406, %dma_start3A_407] : memref<1280x32xf32, #tpu.memory_space<vmem>> -> memref<128x32xf32, #tpu.memory_space<vmem>>
        %dma_start3A_409 = tpu.memref_slice %arg5[%add3A_405] : memref<25600xi32, #tpu.memory_space<vmem>> -> memref<128xi32, #tpu.memory_space<vmem>>
        %dma_start3A_410 = arith.constant 0 : i32
        %dma_start3A_411 = arith.constant 0 : i32
        %dma_start3A_412 = tpu.memref_slice %arg3[%dma_start3A_410, %dma_start3A_411] : memref<1000000x32xf32, #tpu.memory_space<hbm>> -> memref<1000000x32xf32, #tpu.memory_space<hbm>>
        tpu.enqueue_indirect_dma source(%dma_start3A_412 : memref<1000000x32xf32, #tpu.memory_space<hbm>>) target(%dma_start3A_408 : memref<128x32xf32, #tpu.memory_space<vmem>>) offsets(%dma_start3A_409 : memref<128xi32, #tpu.memory_space<vmem>>) semaphore(%arg8 : memref<!tpu.dma_semaphore, #tpu.memory_space<semaphore_mem>>)
        %add3A_413 = arith.constant 1024 : i32
        %add3A_414 = arith.addi %mul3A_340, %add3A_413 : i32
        %dma_start3A_415 = arith.constant 1024 : i32
        %dma_start3A_416 = arith.constant 0 : i32
        %dma_start3A_417 = tpu.memref_slice %arg6[%dma_start3A_415, %dma_start3A_416] : memref<1280x32xf32, #tpu.memory_space<vmem>> -> memref<128x32xf32, #tpu.memory_space<vmem>>
        %dma_start3A_418 = tpu.memref_slice %arg5[%add3A_414] : memref<25600xi32, #tpu.memory_space<vmem>> -> memref<128xi32, #tpu.memory_space<vmem>>
        %dma_start3A_419 = arith.constant 0 : i32
        %dma_start3A_420 = arith.constant 0 : i32
        %dma_start3A_421 = tpu.memref_slice %arg3[%dma_start3A_419, %dma_start3A_420] : memref<1000000x32xf32, #tpu.memory_space<hbm>> -> memref<1000000x32xf32, #tpu.memory_space<hbm>>
        tpu.enqueue_indirect_dma source(%dma_start3A_421 : memref<1000000x32xf32, #tpu.memory_space<hbm>>) target(%dma_start3A_417 : memref<128x32xf32, #tpu.memory_space<vmem>>) offsets(%dma_start3A_418 : memref<128xi32, #tpu.memory_space<vmem>>) semaphore(%arg8 : memref<!tpu.dma_semaphore, #tpu.memory_space<semaphore_mem>>)
        %add3A_422 = arith.constant 1152 : i32
        %add3A_423 = arith.addi %mul3A_340, %add3A_422 : i32
        %dma_start3A_424 = arith.constant 1152 : i32
        %dma_start3A_425 = arith.constant 0 : i32
        %dma_start3A_426 = tpu.memref_slice %arg6[%dma_start3A_424, %dma_start3A_425] : memref<1280x32xf32, #tpu.memory_space<vmem>> -> memref<128x32xf32, #tpu.memory_space<vmem>>
        %dma_start3A_427 = tpu.memref_slice %arg5[%add3A_423] : memref<25600xi32, #tpu.memory_space<vmem>> -> memref<128xi32, #tpu.memory_space<vmem>>
        %dma_start3A_428 = arith.constant 0 : i32
        %dma_start3A_429 = arith.constant 0 : i32
        %dma_start3A_430 = tpu.memref_slice %arg3[%dma_start3A_428, %dma_start3A_429] : memref<1000000x32xf32, #tpu.memory_space<hbm>> -> memref<1000000x32xf32, #tpu.memory_space<hbm>>
        tpu.enqueue_indirect_dma source(%dma_start3A_430 : memref<1000000x32xf32, #tpu.memory_space<hbm>>) target(%dma_start3A_426 : memref<128x32xf32, #tpu.memory_space<vmem>>) offsets(%dma_start3A_427 : memref<128xi32, #tpu.memory_space<vmem>>) semaphore(%arg8 : memref<!tpu.dma_semaphore, #tpu.memory_space<semaphore_mem>>)
      } else {
      }
      %dma_wait3A_224 = arith.constant 0 : i32
      %dma_wait3A_225 = arith.constant 0 : i32
      %dma_wait3A_226 = tpu.memref_slice %arg7[%dma_wait3A_224, %dma_wait3A_225] : memref<1280x32xf32, #tpu.memory_space<vmem>> -> memref<128x32xf32, #tpu.memory_space<vmem>>
      %dma_wait3A_227 = arith.constant 0 : i32
      %dma_wait3A_228 = tpu.memref_slice %arg4[%mul3A_2, %dma_wait3A_227] : memref<819200x128xf32, #tpu.memory_space<hbm>> -> memref<128x32xf32, #tpu.memory_space<hbm>>
      %dma_wait3A_229 = arith.constant 0 : i32
      %dma_wait3A_230 = arith.constant 0 : i32
      %dma_wait3A_231 = tpu.memref_slice %arg7[%dma_wait3A_229, %dma_wait3A_230] : memref<1280x32xf32, #tpu.memory_space<vmem>> -> memref<128x32xf32, #tpu.memory_space<vmem>>
      %dma_wait3A_232 = arith.constant 0 : i32
      %dma_wait3A_233 = tpu.memref_slice %arg4[%mul3A_2, %dma_wait3A_232] : memref<819200x128xf32, #tpu.memory_space<hbm>> -> memref<128x32xf32, #tpu.memory_space<hbm>>
      tpu.wait_dma2 semaphore(%arg9 : memref<!tpu.dma_semaphore, #tpu.memory_space<semaphore_mem>>) src(%dma_wait3A_233 : memref<128x32xf32, #tpu.memory_space<hbm>>) dst(%dma_wait3A_231 : memref<128x32xf32, #tpu.memory_space<vmem>>)
      %dma_wait3A_234 = arith.constant 128 : i32
      %dma_wait3A_235 = arith.constant 0 : i32
      %dma_wait3A_236 = tpu.memref_slice %arg7[%dma_wait3A_234, %dma_wait3A_235] : memref<1280x32xf32, #tpu.memory_space<vmem>> -> memref<128x32xf32, #tpu.memory_space<vmem>>
      %dma_wait3A_237 = arith.constant 0 : i32
      %dma_wait3A_238 = tpu.memref_slice %arg4[%mul3A_2, %dma_wait3A_237] : memref<819200x128xf32, #tpu.memory_space<hbm>> -> memref<128x32xf32, #tpu.memory_space<hbm>>
      %dma_wait3A_239 = arith.constant 128 : i32
      %dma_wait3A_240 = arith.constant 0 : i32
      %dma_wait3A_241 = tpu.memref_slice %arg7[%dma_wait3A_239, %dma_wait3A_240] : memref<1280x32xf32, #tpu.memory_space<vmem>> -> memref<128x32xf32, #tpu.memory_space<vmem>>
      %dma_wait3A_242 = arith.constant 0 : i32
      %dma_wait3A_243 = tpu.memref_slice %arg4[%mul3A_2, %dma_wait3A_242] : memref<819200x128xf32, #tpu.memory_space<hbm>> -> memref<128x32xf32, #tpu.memory_space<hbm>>
      tpu.wait_dma2 semaphore(%arg9 : memref<!tpu.dma_semaphore, #tpu.memory_space<semaphore_mem>>) src(%dma_wait3A_243 : memref<128x32xf32, #tpu.memory_space<hbm>>) dst(%dma_wait3A_241 : memref<128x32xf32, #tpu.memory_space<vmem>>)
      %dma_wait3A_244 = arith.constant 256 : i32
      %dma_wait3A_245 = arith.constant 0 : i32
      %dma_wait3A_246 = tpu.memref_slice %arg7[%dma_wait3A_244, %dma_wait3A_245] : memref<1280x32xf32, #tpu.memory_space<vmem>> -> memref<128x32xf32, #tpu.memory_space<vmem>>
      %dma_wait3A_247 = arith.constant 0 : i32
      %dma_wait3A_248 = tpu.memref_slice %arg4[%mul3A_2, %dma_wait3A_247] : memref<819200x128xf32, #tpu.memory_space<hbm>> -> memref<128x32xf32, #tpu.memory_space<hbm>>
      %dma_wait3A_249 = arith.constant 256 : i32
      %dma_wait3A_250 = arith.constant 0 : i32
      %dma_wait3A_251 = tpu.memref_slice %arg7[%dma_wait3A_249, %dma_wait3A_250] : memref<1280x32xf32, #tpu.memory_space<vmem>> -> memref<128x32xf32, #tpu.memory_space<vmem>>
      %dma_wait3A_252 = arith.constant 0 : i32
      %dma_wait3A_253 = tpu.memref_slice %arg4[%mul3A_2, %dma_wait3A_252] : memref<819200x128xf32, #tpu.memory_space<hbm>> -> memref<128x32xf32, #tpu.memory_space<hbm>>
      tpu.wait_dma2 semaphore(%arg9 : memref<!tpu.dma_semaphore, #tpu.memory_space<semaphore_mem>>) src(%dma_wait3A_253 : memref<128x32xf32, #tpu.memory_space<hbm>>) dst(%dma_wait3A_251 : memref<128x32xf32, #tpu.memory_space<vmem>>)
      %dma_wait3A_254 = arith.constant 384 : i32
      %dma_wait3A_255 = arith.constant 0 : i32
      %dma_wait3A_256 = tpu.memref_slice %arg7[%dma_wait3A_254, %dma_wait3A_255] : memref<1280x32xf32, #tpu.memory_space<vmem>> -> memref<128x32xf32, #tpu.memory_space<vmem>>
      %dma_wait3A_257 = arith.constant 0 : i32
      %dma_wait3A_258 = tpu.memref_slice %arg4[%mul3A_2, %dma_wait3A_257] : memref<819200x128xf32, #tpu.memory_space<hbm>> -> memref<128x32xf32, #tpu.memory_space<hbm>>
      %dma_wait3A_259 = arith.constant 384 : i32
      %dma_wait3A_260 = arith.constant 0 : i32
      %dma_wait3A_261 = tpu.memref_slice %arg7[%dma_wait3A_259, %dma_wait3A_260] : memref<1280x32xf32, #tpu.memory_space<vmem>> -> memref<128x32xf32, #tpu.memory_space<vmem>>
      %dma_wait3A_262 = arith.constant 0 : i32
      %dma_wait3A_263 = tpu.memref_slice %arg4[%mul3A_2, %dma_wait3A_262] : memref<819200x128xf32, #tpu.memory_space<hbm>> -> memref<128x32xf32, #tpu.memory_space<hbm>>
      tpu.wait_dma2 semaphore(%arg9 : memref<!tpu.dma_semaphore, #tpu.memory_space<semaphore_mem>>) src(%dma_wait3A_263 : memref<128x32xf32, #tpu.memory_space<hbm>>) dst(%dma_wait3A_261 : memref<128x32xf32, #tpu.memory_space<vmem>>)
      %dma_wait3A_264 = arith.constant 512 : i32
      %dma_wait3A_265 = arith.constant 0 : i32
      %dma_wait3A_266 = tpu.memref_slice %arg7[%dma_wait3A_264, %dma_wait3A_265] : memref<1280x32xf32, #tpu.memory_space<vmem>> -> memref<128x32xf32, #tpu.memory_space<vmem>>
      %dma_wait3A_267 = arith.constant 0 : i32
      %dma_wait3A_268 = tpu.memref_slice %arg4[%mul3A_2, %dma_wait3A_267] : memref<819200x128xf32, #tpu.memory_space<hbm>> -> memref<128x32xf32, #tpu.memory_space<hbm>>
      %dma_wait3A_269 = arith.constant 512 : i32
      %dma_wait3A_270 = arith.constant 0 : i32
      %dma_wait3A_271 = tpu.memref_slice %arg7[%dma_wait3A_269, %dma_wait3A_270] : memref<1280x32xf32, #tpu.memory_space<vmem>> -> memref<128x32xf32, #tpu.memory_space<vmem>>
      %dma_wait3A_272 = arith.constant 0 : i32
      %dma_wait3A_273 = tpu.memref_slice %arg4[%mul3A_2, %dma_wait3A_272] : memref<819200x128xf32, #tpu.memory_space<hbm>> -> memref<128x32xf32, #tpu.memory_space<hbm>>
      tpu.wait_dma2 semaphore(%arg9 : memref<!tpu.dma_semaphore, #tpu.memory_space<semaphore_mem>>) src(%dma_wait3A_273 : memref<128x32xf32, #tpu.memory_space<hbm>>) dst(%dma_wait3A_271 : memref<128x32xf32, #tpu.memory_space<vmem>>)
      %dma_wait3A_274 = arith.constant 640 : i32
      %dma_wait3A_275 = arith.constant 0 : i32
      %dma_wait3A_276 = tpu.memref_slice %arg7[%dma_wait3A_274, %dma_wait3A_275] : memref<1280x32xf32, #tpu.memory_space<vmem>> -> memref<128x32xf32, #tpu.memory_space<vmem>>
      %dma_wait3A_277 = arith.constant 0 : i32
      %dma_wait3A_278 = tpu.memref_slice %arg4[%mul3A_2, %dma_wait3A_277] : memref<819200x128xf32, #tpu.memory_space<hbm>> -> memref<128x32xf32, #tpu.memory_space<hbm>>
      %dma_wait3A_279 = arith.constant 640 : i32
      %dma_wait3A_280 = arith.constant 0 : i32
      %dma_wait3A_281 = tpu.memref_slice %arg7[%dma_wait3A_279, %dma_wait3A_280] : memref<1280x32xf32, #tpu.memory_space<vmem>> -> memref<128x32xf32, #tpu.memory_space<vmem>>
      %dma_wait3A_282 = arith.constant 0 : i32
      %dma_wait3A_283 = tpu.memref_slice %arg4[%mul3A_2, %dma_wait3A_282] : memref<819200x128xf32, #tpu.memory_space<hbm>> -> memref<128x32xf32, #tpu.memory_space<hbm>>
      tpu.wait_dma2 semaphore(%arg9 : memref<!tpu.dma_semaphore, #tpu.memory_space<semaphore_mem>>) src(%dma_wait3A_283 : memref<128x32xf32, #tpu.memory_space<hbm>>) dst(%dma_wait3A_281 : memref<128x32xf32, #tpu.memory_space<vmem>>)
      %dma_wait3A_284 = arith.constant 768 : i32
      %dma_wait3A_285 = arith.constant 0 : i32
      %dma_wait3A_286 = tpu.memref_slice %arg7[%dma_wait3A_284, %dma_wait3A_285] : memref<1280x32xf32, #tpu.memory_space<vmem>> -> memref<128x32xf32, #tpu.memory_space<vmem>>
      %dma_wait3A_287 = arith.constant 0 : i32
      %dma_wait3A_288 = tpu.memref_slice %arg4[%mul3A_2, %dma_wait3A_287] : memref<819200x128xf32, #tpu.memory_space<hbm>> -> memref<128x32xf32, #tpu.memory_space<hbm>>
      %dma_wait3A_289 = arith.constant 768 : i32
      %dma_wait3A_290 = arith.constant 0 : i32
      %dma_wait3A_291 = tpu.memref_slice %arg7[%dma_wait3A_289, %dma_wait3A_290] : memref<1280x32xf32, #tpu.memory_space<vmem>> -> memref<128x32xf32, #tpu.memory_space<vmem>>
      %dma_wait3A_292 = arith.constant 0 : i32
      %dma_wait3A_293 = tpu.memref_slice %arg4[%mul3A_2, %dma_wait3A_292] : memref<819200x128xf32, #tpu.memory_space<hbm>> -> memref<128x32xf32, #tpu.memory_space<hbm>>
      tpu.wait_dma2 semaphore(%arg9 : memref<!tpu.dma_semaphore, #tpu.memory_space<semaphore_mem>>) src(%dma_wait3A_293 : memref<128x32xf32, #tpu.memory_space<hbm>>) dst(%dma_wait3A_291 : memref<128x32xf32, #tpu.memory_space<vmem>>)
      %dma_wait3A_294 = arith.constant 896 : i32
      %dma_wait3A_295 = arith.constant 0 : i32
      %dma_wait3A_296 = tpu.memref_slice %arg7[%dma_wait3A_294, %dma_wait3A_295] : memref<1280x32xf32, #tpu.memory_space<vmem>> -> memref<128x32xf32, #tpu.memory_space<vmem>>
      %dma_wait3A_297 = arith.constant 0 : i32
      %dma_wait3A_298 = tpu.memref_slice %arg4[%mul3A_2, %dma_wait3A_297] : memref<819200x128xf32, #tpu.memory_space<hbm>> -> memref<128x32xf32, #tpu.memory_space<hbm>>
      %dma_wait3A_299 = arith.constant 896 : i32
      %dma_wait3A_300 = arith.constant 0 : i32
      %dma_wait3A_301 = tpu.memref_slice %arg7[%dma_wait3A_299, %dma_wait3A_300] : memref<1280x32xf32, #tpu.memory_space<vmem>> -> memref<128x32xf32, #tpu.memory_space<vmem>>
      %dma_wait3A_302 = arith.constant 0 : i32
      %dma_wait3A_303 = tpu.memref_slice %arg4[%mul3A_2, %dma_wait3A_302] : memref<819200x128xf32, #tpu.memory_space<hbm>> -> memref<128x32xf32, #tpu.memory_space<hbm>>
      tpu.wait_dma2 semaphore(%arg9 : memref<!tpu.dma_semaphore, #tpu.memory_space<semaphore_mem>>) src(%dma_wait3A_303 : memref<128x32xf32, #tpu.memory_space<hbm>>) dst(%dma_wait3A_301 : memref<128x32xf32, #tpu.memory_space<vmem>>)
      %dma_wait3A_304 = arith.constant 1024 : i32
      %dma_wait3A_305 = arith.constant 0 : i32
      %dma_wait3A_306 = tpu.memref_slice %arg7[%dma_wait3A_304, %dma_wait3A_305] : memref<1280x32xf32, #tpu.memory_space<vmem>> -> memref<128x32xf32, #tpu.memory_space<vmem>>
      %dma_wait3A_307 = arith.constant 0 : i32
      %dma_wait3A_308 = tpu.memref_slice %arg4[%mul3A_2, %dma_wait3A_307] : memref<819200x128xf32, #tpu.memory_space<hbm>> -> memref<128x32xf32, #tpu.memory_space<hbm>>
      %dma_wait3A_309 = arith.constant 1024 : i32
      %dma_wait3A_310 = arith.constant 0 : i32
      %dma_wait3A_311 = tpu.memref_slice %arg7[%dma_wait3A_309, %dma_wait3A_310] : memref<1280x32xf32, #tpu.memory_space<vmem>> -> memref<128x32xf32, #tpu.memory_space<vmem>>
      %dma_wait3A_312 = arith.constant 0 : i32
      %dma_wait3A_313 = tpu.memref_slice %arg4[%mul3A_2, %dma_wait3A_312] : memref<819200x128xf32, #tpu.memory_space<hbm>> -> memref<128x32xf32, #tpu.memory_space<hbm>>
      tpu.wait_dma2 semaphore(%arg9 : memref<!tpu.dma_semaphore, #tpu.memory_space<semaphore_mem>>) src(%dma_wait3A_313 : memref<128x32xf32, #tpu.memory_space<hbm>>) dst(%dma_wait3A_311 : memref<128x32xf32, #tpu.memory_space<vmem>>)
      %dma_wait3A_314 = arith.constant 1152 : i32
      %dma_wait3A_315 = arith.constant 0 : i32
      %dma_wait3A_316 = tpu.memref_slice %arg7[%dma_wait3A_314, %dma_wait3A_315] : memref<1280x32xf32, #tpu.memory_space<vmem>> -> memref<128x32xf32, #tpu.memory_space<vmem>>
      %dma_wait3A_317 = arith.constant 0 : i32
      %dma_wait3A_318 = tpu.memref_slice %arg4[%mul3A_2, %dma_wait3A_317] : memref<819200x128xf32, #tpu.memory_space<hbm>> -> memref<128x32xf32, #tpu.memory_space<hbm>>
      %dma_wait3A_319 = arith.constant 1152 : i32
      %dma_wait3A_320 = arith.constant 0 : i32
      %dma_wait3A_321 = tpu.memref_slice %arg7[%dma_wait3A_319, %dma_wait3A_320] : memref<1280x32xf32, #tpu.memory_space<vmem>> -> memref<128x32xf32, #tpu.memory_space<vmem>>
      %dma_wait3A_322 = arith.constant 0 : i32
      %dma_wait3A_323 = tpu.memref_slice %arg4[%mul3A_2, %dma_wait3A_322] : memref<819200x128xf32, #tpu.memory_space<hbm>> -> memref<128x32xf32, #tpu.memory_space<hbm>>
      tpu.wait_dma2 semaphore(%arg9 : memref<!tpu.dma_semaphore, #tpu.memory_space<semaphore_mem>>) src(%dma_wait3A_323 : memref<128x32xf32, #tpu.memory_space<hbm>>) dst(%dma_wait3A_321 : memref<128x32xf32, #tpu.memory_space<vmem>>)
      %mul3A_324 = arith.constant 1280 : i32
      %mul3A_325 = arith.muli %add3A_216, %mul3A_324 : i32
      %add3A_326 = arith.addi %mul3A_2, %mul3A_325 : i32
      %dma_start3A_327 = arith.constant 0 : i32
      %dma_start3A_328 = tpu.memref_slice %arg4[%add3A_326, %dma_start3A_327] : memref<819200x128xf32, #tpu.memory_space<hbm>> -> memref<1280x32xf32, #tpu.memory_space<hbm>>
      %dma_start3A_329 = arith.constant 0 : i32
      %dma_start3A_330 = tpu.memref_slice %arg4[%add3A_326, %dma_start3A_329] : memref<819200x128xf32, #tpu.memory_space<hbm>> -> memref<1280x32xf32, #tpu.memory_space<hbm>>
      tpu.enqueue_dma source(%arg7 : memref<1280x32xf32, #tpu.memory_space<vmem>>) target(%dma_start3A_330 : memref<1280x32xf32, #tpu.memory_space<hbm>>) target_semaphore(%arg11 : memref<!tpu.dma_semaphore, #tpu.memory_space<semaphore_mem>>)
    }
    %scan3A_85 = arith.constant 10 : i32
    %dma_wait3A = arith.constant 0 : i32
    %dma_wait3A_86 = tpu.memref_slice %arg4[%mul3A_2, %dma_wait3A] : memref<819200x128xf32, #tpu.memory_space<hbm>> -> memref<1280x32xf32, #tpu.memory_space<hbm>>
    %dma_wait3A_87 = arith.constant 0 : i32
    %dma_wait3A_88 = tpu.memref_slice %arg4[%mul3A_2, %dma_wait3A_87] : memref<819200x128xf32, #tpu.memory_space<hbm>> -> memref<1280x32xf32, #tpu.memory_space<hbm>>
    tpu.wait_dma2 semaphore(%arg10 : memref<!tpu.dma_semaphore, #tpu.memory_space<semaphore_mem>>) src(%arg6 : memref<1280x32xf32, #tpu.memory_space<vmem>>) dst(%dma_wait3A_88 : memref<1280x32xf32, #tpu.memory_space<hbm>>)
    %dma_wait3A_89 = arith.constant 0 : i32
    %dma_wait3A_90 = tpu.memref_slice %arg4[%mul3A_2, %dma_wait3A_89] : memref<819200x128xf32, #tpu.memory_space<hbm>> -> memref<1280x32xf32, #tpu.memory_space<hbm>>
    %dma_wait3A_91 = arith.constant 0 : i32
    %dma_wait3A_92 = tpu.memref_slice %arg4[%mul3A_2, %dma_wait3A_91] : memref<819200x128xf32, #tpu.memory_space<hbm>> -> memref<1280x32xf32, #tpu.memory_space<hbm>>
    tpu.wait_dma2 semaphore(%arg11 : memref<!tpu.dma_semaphore, #tpu.memory_space<semaphore_mem>>) src(%arg7 : memref<1280x32xf32, #tpu.memory_space<vmem>>) dst(%dma_wait3A_92 : memref<1280x32xf32, #tpu.memory_space<hbm>>)
    return
  }
}

</mosaic_0001>

<sc_bundles>
// kernel: kernel.3.cloned.1.call-start
scs
__scs_entry_jumppad:
0x0: {  	(pc) =	sbr.rel $0x88, $3  }
0x1: {  	(tag) =	ssettag $0x0;
	lr =	simm.s32 $0x1  }
0x2: {  	[smem:$0x3F9F] =	sst lr;
	_ =	strace $0xD0000000  }
0x3: {  	_ = 	snop  }
0x4: {  	_ = 	snop  }
0x5: {  	_ = 	snop  }
0x6: {  	_ = 	snop  }
0x7: {  	_ = 	snop  }
__scs_overlays_trampoline_lowered:
0x8: {  	[smem:$0x3FAE] =	sst s0  }
0x9: {  	[smem:$0x3FAF] =	sst s1  }
0xa: {  	[smem:$0x3FB0] =	sst s2  }
0xb: {  	[smem:$0x3FB1] =	sst s3  }
0xc: {  	[smem:$0x3FB2] =	sst s4  }
0xd: {  	[smem:$0x3FB3] =	sst s5  }
0xe: {  	[smem:$0x3FB4] =	sst s6  }
0xf: {  	[smem:$0x3FB5] =	sst s7  }
0x10: {  	[smem:$0x3FB6] =	sst s8  }
0x11: {  	[smem:$0x3FB7] =	sst s9;
	s0 =	simm.s32 @!p0 $0x0  }
0x12: {  	s1 =	sld [smem:$0x3F9D];
	s0 =	simm.s32 @p0 $0x1  }
0x13: {  	[smem:$0x3FB8] =	sst s0;
	s0 =	simm.s32 @!p1 $0x0  }
0x14: {  	s2 =	sld [smem:$0x3F9C];
	s0 =	simm.s32 @p1 $0x1  }
0x15: {  	[smem:$0x3FB9] =	sst s0;
	s0 =	simm.s32 @!p2 $0x0  }
0x16: {  	s3 =	sld [smem:$0x3FDB];
	s0 =	simm.s32 @p2 $0x1  }
0x17: {  	s4 =	simm.s32 $0x1BF5;
	[smem:$0x3FBB] =	sst s0  }
0x18: {  	s0 =	sld [smem:$0x3F9E];
	_ =	swait.ge [sflag:s4], $0x0  }
0x19: {  	s7 =	sld [smem:$0x3F9F]  }
0x1a: {  	s8 =	sadd.s32 $0xFFFFE003, lr  }
0x1b: {  	s9 =	sadd.s32 $0xFFFFFEF7, lr;
	s5 =	simm.s32 $0xFFFFFFFF;
	p2 =	slt.u32 s8, $0xFFFFF086  }
0x1c: {  	p1 =	slt.u32 s9, $0xF7A;
	s5 =	simm.s32 @!p2 $0x0  }
0x1d: {  	s5 =	simm.s32 @p1 $0x1;
	p0 =	seq.s32 s7, s2  }
0x1e: {  	s7 =	smul.u32 @!p0 $0xF7A, s2;
	p2 =	seq.s32 @!p0 s5, $0x0  }
0x1f: {  	s9 =	smul.u32 $0xF7A, s1;
	s8 =	simm.s32 @!p0 $0x1BF5;
	p2 =	por !p2, p0  }
0x20: {  	[sflag:s8] =	ssyncset.s32 @!p0 $0xFFFFF086;
	s6 =	sadd.s32 @!p0 s3, s7;
	s7 =	simm.s32 @!p0 $0x108  }
0x21: {  	s3 =	sadd.s32 s3, s9;
	s6 =	sadd.s32 @!p0 $0x88, s6;
	s7 =	simm.s32 @p2 $0x1082  }
0x22: {  	[simem:s7], [sflag:s8] =	dma.local @!p0 [hbm:s6], $0xF7A  }
0x23: {  	s9 =	sor.u32 $0xD0000000, s2;
	s6 =	simm.s32 $0x108;
	_ =	swait.ge @!p0 [sflag:s8], $0x0  }
0x24: {  	s3 =	sadd.s32 $0x88, s3;
	s6 =	simm.s32 @!p1 $0x1082;
	[sflag:s4] =	ssyncset.s32 $0xFFFFF086  }
0x25: {  	[simem:s6], [sflag:s4] =	dma.local [hbm:s3], $0xF7A  }
0x26: {  	[smem:$0x3F9F] =	sst s1;
	(tag) =	ssettag s2;
	_ =	strace s9  }
0x27: {  	s1 =	sld [smem:$0x3FAF]  }
0x28: {  	s2 =	sld [smem:$0x3FB0]  }
0x29: {  	s4 =	sld [smem:$0x3FB2]  }
0x2a: {  	p0 =	seq.s32 s5, $0x0;
	s5 =	sld [smem:$0x3FB3]  }
0x2b: {  	s6 =	sld [smem:$0x3FB4]  }
0x2c: {  	s7 =	sld [smem:$0x3FB5]  }
0x2d: {  	s3 =	simm.s32 $0x108;
	s8 =	sld [smem:$0x3FB6]  }
0x2e: {  	s3 =	simm.s32 @!p0 $0x1082;
	s9 =	sld [smem:$0x3FB7]  }
0x2f: {  	lr =	sadd.s32 s0, s3;
	s0 =	sld [smem:$0x3FAE]  }
0x30: {  	s3 =	sld [smem:$0x3FB1]  }
0x31: {  	[smem:$0x3FBA] =	sst s10  }
0x32: {  	s10 =	sld [smem:$0x3FB8];
	_ =	sdelay $0x3  }
0x33: {  	p0 =	seq.s32 s10, $0x1;
	s10 =	sld [smem:$0x3FBA];
	_ =	sdelay $0x3  }
0x34: {  	[smem:$0x3FBA] =	sst s10  }
0x35: {  	s10 =	sld [smem:$0x3FB9];
	_ =	sdelay $0x3  }
0x36: {  	p1 =	seq.s32 s10, $0x1;
	s10 =	sld [smem:$0x3FBA];
	_ =	sdelay $0x3  }
0x37: {  	[smem:$0x3FBA] =	sst s10  }
0x38: {  	s10 =	sld [smem:$0x3FBB]  }
0x39: {  	_ = 	snop;
	(pc) =	sbr.ind lr, $3  }
0x3a: {  	_ = 	snop  }
0x3b: {  	_ = 	snop  }
0x3c: {  	p2 =	seq.s32 s10, $0x1;
	s10 =	sld [smem:$0x3FBA]  }
0x3d: {  	_ =	shalt  }
0x3e: {  	_ =	shalt  }
0x3f: {  	_ =	shalt  }
0x40: {  	_ =	shalt  }
0x41: {  	_ =	shalt  }
0x42: {  	_ =	shalt  }
0x43: {  	_ =	shalt  }
0x44: {  	_ =	shalt  }
0x45: {  	_ =	shalt  }
0x46: {  	_ =	shalt  }
0x47: {  	_ =	shalt  }
0x48: {  	_ =	shalt  }
0x49: {  	_ =	shalt  }
0x4a: {  	_ =	shalt  }
0x4b: {  	_ =	shalt  }
0x4c: {  	_ =	shalt  }
0x4d: {  	_ =	shalt  }
0x4e: {  	_ =	shalt  }
0x4f: {  	_ =	shalt  }
0x50: {  	_ =	shalt  }
0x51: {  	_ =	shalt  }
0x52: {  	_ =	shalt  }
0x53: {  	_ =	shalt  }
0x54: {  	_ =	shalt  }
0x55: {  	_ =	shalt  }
0x56: {  	_ =	shalt  }
0x57: {  	_ =	shalt  }
0x58: {  	_ =	shalt  }
0x59: {  	_ =	shalt  }
0x5a: {  	_ =	shalt  }
0x5b: {  	_ =	shalt  }
0x5c: {  	_ =	shalt  }
0x5d: {  	_ =	shalt  }
0x5e: {  	_ =	shalt  }
0x5f: {  	_ =	shalt  }
0x60: {  	_ =	shalt  }
0x61: {  	_ =	shalt  }
0x62: {  	_ =	shalt  }
0x63: {  	_ =	shalt  }
0x64: {  	_ =	shalt  }
0x65: {  	_ =	shalt  }
0x66: {  	_ =	shalt  }
0x67: {  	_ =	shalt  }
0x68: {  	_ =	shalt  }
0x69: {  	_ =	shalt  }
0x6a: {  	_ =	shalt  }
0x6b: {  	_ =	shalt  }
0x6c: {  	_ =	shalt  }
0x6d: {  	_ =	shalt  }
0x6e: {  	_ =	shalt  }
0x6f: {  	_ =	shalt  }
0x70: {  	_ =	shalt  }
0x71: {  	_ =	shalt  }
0x72: {  	_ =	shalt  }
0x73: {  	_ =	shalt  }
0x74: {  	_ =	shalt  }
0x75: {  	_ =	shalt  }
0x76: {  	_ =	shalt  }
0x77: {  	_ =	shalt  }
0x78: {  	_ =	shalt  }
0x79: {  	_ =	shalt  }
0x7a: {  	_ =	shalt  }
0x7b: {  	_ =	shalt  }
0x7c: {  	_ =	shalt  }
0x7d: {  	_ =	shalt  }
0x7e: {  	_ =	shalt  }
0x7f: {  	_ =	shalt  }
0x80: {  	_ =	shalt  }
0x81: {  	_ =	shalt  }
0x82: {  	_ =	shalt  }
0x83: {  	_ =	shalt  }
0x84: {  	_ =	shalt  }
0x85: {  	_ =	shalt  }
0x86: {  	_ =	shalt  }
0x87: {  	_ =	shalt  }
.Lfunc_end0:
.L_simem_size_0:
called_computation.1_lowered:
.L_overlay_start_0:
0x88: {  	s2 =	sld [smem:$0x3FD9]  }
0x89: {  	s3 =	sld [smem:$0x3FFE];
	_ =	sdelay $0x1  }
0x8a: {  	s1 =	srdreg.scid  }
0x8b: {  	s0 =	sand.u32 $0x1, s1  }
0x8c: {  	s17 =	sshll.u32 s0, $0xA;
	s2 =	sadd.s32 s3, s2  }
0x8d: {  	s2 =	sadd.s32 s2, s17  }
0x8e: {  	[smem:$0x3FC6] =	sst s2  }
0x8f: {  	_ = 	snop  }
0x90: {  	s2 =	sld [smem:$0x3FD0];
	(tm) =	ssettm $0x1  }
0x91: {  	s18 =	sld [smem:$0x3FFB];
	_ =	sdelay $0x3  }
0x92: {  	_ =	strace s18  }
0x93: {  	s3 =	sld [smem:$0x3FFC];
	_ =	sdelay $0x3  }
0x94: {  	_ =	strace s3  }
0x95: {  	s3 =	sld [smem:$0x3FFD];
	_ =	sdelay $0x3  }
0x96: {  	_ =	strace s3  }
0x97: {  	_ =	strace $0x8FFFFFFF  }
0x98: {  	s19 =	sld [smem:$0x3FDB];
	_ =	sdelay $0x1  }
0x99: {  	s4 =	simm.s32 $_scs_section_size  }
0x9a: {  	s5 =	simm.s32 $_size__tile_overlayer_lowered;
	s6 =	simm.s32 $_tile_overlayer_lowered  }
0x9b: {  	s22 =	simm.s32 $0x1BFF;
	s21 =	sshll.u32 s6, $0x1;
	s3 =	sadd.s32 s4, s19  }
0x9c: {  	s7 =	simm.s32 $0x0;
	s20 =	sshll.u32 s5, $0x1;
	s5 =	sadd.s32 s21, s3  }
0x9d: {  	[timem:s7], [sflag:s22] =	dma.local [hbm:s5], s20  }
0x9e: {  	_ =	swait.ge [sflag:s22], s20  }
0x9f: {  	s4 =	ssub.s32 $0x0, s20;
	[sflag:s22] =	ssyncset.done $0x0  }
0xa0: {  	[sflag:s22] =	ssyncadd.s32 s4;
	_ =	sdelay $0x1  }
0xa1: {  	s23 =	simm.s32 $0x1B8B  }
0xa2: {  	_ =	swait.ge [sflag:s23], $0x1  }
0xa3: {  	[sflag:s23] =	ssyncset.done $0x0  }
0xa4: {  	s25 =	simm.s32 $0x1B8E;
	s24 =	sld [smem:$0x3FFE];
	[sflag:s23] =	ssyncadd.s32 $0xFFFFFFFF  }
0xa5: {  	s26 =	simm.s32 $execute0_lowered;
	[smem:$0x3FD2] =	sst s25  }
0xa6: {  	s5 =	sshll.u32 s26, $0x1;
	_ =	strace $0x80000046;
	[dreg:$0x1] =	wrdreg $0xFFFFFFFF  }
0xa7: {  	s28 =	simm.s32 $_size_execute0_lowered;
	s3 =	sadd.s32 s3, s5;
	[dreg:$0x0] =	wrdreg $0x0  }
0xa8: {  	s5 =	sshll.u32 s28, $0x1;
	[dreg:$0x2] =	wrdreg s3  }
0xa9: {  	[dreg:$0x3] =	wrdreg s5  }
0xaa: {  	[dreg:$0x4] =	wrdreg $0xC0  }
0xab: {  	_ =	task [dreg:s7], $0x5FFFF  }
0xac: {  	[dreg:$0x1] =	wrdreg $0xFFFFFFFF  }
0xad: {  	[dreg:$0x0] =	wrdreg $0x60  }
0xae: {  	[dreg:$0x2] =	wrdreg s2  }
0xaf: {  	[dreg:$0x3] =	wrdreg s24  }
0xb0: {  	[dreg:$0x4] =	wrdreg $0x9  }
0xb1: {  	_ =	task.clear_ibuf [dreg:s7], $0x5FFFF;
	_ =	strace $0x90000046  }
0xb2: {  	s29 =	simm.s32 $0x9;
	_ =	strace $0x80000048  }
0xb3: {  	_ =	swait.ge [sflag:s29], $0x1  }
0xb4: {  	[sflag:s29] =	ssyncadd.s32 $0xFFFFFFFF  }
0xb5: {  	_ =	strace $0x90000048  }
0xb6: {  	_ =	sfence  }
0xb7: {  	s30 =	sld [smem:$0x0];
	_ =	sdelay $0x2  }
0xb8: {  	s31 =	sshll.u32 s1, $0xD;
	s1 =	sshrl.u32 s1, $0x2  }
0xb9: {  	s3 =	sand.u32 $0x4000, s31;
	s1 =	sadd.s32 s1, s30  }
0xba: {  	s0 =	sor.u32 s3, s0;
	s1 =	sshll.u32 s1, $0x11  }
0xbb: {  	s0 =	sor.u32 s1, s0  }
0xbc: {  	s0 =	sadd.s32 $0x8F2B, s0  }
0xbd: {  	[sflag:s0] =	ssyncadd.remote.s32 $0x1  }
0xbe: {  	_ =	sfence.sel $0xFFFF  }
0xbf: {  	[dreg:$0x0] =	wrdreg $0xFFFFFFFF;
	(pc) =	sbr.abs _section_cstart, $3  }
0xc0: {  	[dreg:$0x1] =	wrdreg $0xFFFFFFFF  }
0xc1: {  	_ =	task.clear_ibuf [dreg:s7], $0x2FFFF;
	_ =	strace $0x9FFFFFFF  }
0xc2: {  	(tm) =	ssettm $0x7FFFFFFF  }
0xc3: {  	_ =	shalt  }
tec
execute0_lowered:
.L_overlay_start_1:
0x0: {  	(tag) =	ssettag $0x1  }
0x1: {  	s0 =	rddreg [dreg:$0x0]  }
0x2: {  	s2 =	rddreg [dreg:$0x1];
	s1 =	simm.s32 $0x0  }
0x3: {  	s4 =	srdreg.scid;
	s10 =	stileid.u32;
	s19 =	simm.s32 $0x11400  }
0x4: {  	s20 =	simm.s32 $0x12400;
	s21 =	simm.s32 $0x13400;
	s22 =	simm.s32 $0x14400  }
0x5: {  	s23 =	simm.s32 $0x15400;
	s24 =	simm.s32 $0x16400;
	s25 =	simm.s32 $0x17400  }
0x6: {  	s26 =	simm.s32 $0x18400;
	s28 =	simm.s32 $0x19400;
	s29 =	simm.s32 $0x10400  }
0x7: {  	s30 =	simm.s32 $0x1;
	s31 =	simm.s32 $0x20;
	[smem:$0x7FF] =	sst s1  }
0x8: {  	s11 =	simm.s32 $0x4;
	_ =	strace $0x80000047;
	[dreg:$0x3] =	wrdreg s19  }
0x9: {  	s12 =	simm.s32 $0x0;
	s3 =	sadd.s32 $0xF42E00, s2;
	[dreg:$0x4] =	wrdreg s20  }
0xa: {  	s4 =	sand.u32 $0x1, s4;
	s5 =	sshll.u32 s10, $0x1;
	[dreg:$0x5] =	wrdreg s21  }
0xb: {  	s6 =	smul.u32 $0xC800, s10;
	s2 =	sadd.s32 $0xA00, s2;
	[dreg:$0x6] =	wrdreg s22  }
0xc: {  	s16 =	smul.u32 $0xC8000, s10;
	s10 =	simm.s32 $0x6400;
	[dreg:$0x7] =	wrdreg s23  }
0xd: {  	s7 =	ssub.s32 $0x2, s4;
	s8 =	smul.u32 $0x6400, s4;
	[dreg:$0x8] =	wrdreg s24  }
0xe: {  	s5 =	sor.u32 s4, s5;
	s17 =	smul.u32 $0x64000, s4;
	[dreg:$0x9] =	wrdreg s25  }
0xf: {  	[dreg:$0xa] =	wrdreg s26;
	s9 =	sshrl.u32 s7, $0x1;
	s5 =	smul.u32 $0x6400, s5  }
0x10: {  	[dreg:$0xb] =	wrdreg s28;
	s18 =	sadd.s32 s16, s2;
	s7 =	ssub.s32 s7, s9  }
0x11: {  	s6 =	sadd.s32 s8, s6;
	s8 =	simm.s32 $0x5;
	s5 =	sshrl.u32 s5, $0x3  }
0x12: {  	s9 =	simm.s32 $0x80;
	s6 =	sshll.u32 s6, $0x4;
	s4 =	sadd.s32 s0, s5  }
0x13: {  	s2 =	sadd.s32 s2, s6;
	s5 =	smax.u32 s7, $0x1;
	s6 =	sadd.s32 s17, s18  }
0x14: {  	s0 =	simm.s32 $0x2;
	s17 =	sadd.s32 $0x5000, s2;
	s2 =	simm.s32 $0x3  }
.LBB2_1:
0x15: {  	[tilespmem:s1], [sflag:$0x5] =	stream.linear.gather [hbm4b:s4+s1], $0x6400, $0x38;
	[tilespmem:$0x1A400] =	vst v63  }
0x16: {  	_ =	swait.ge [sflag:s8], $0x6400  }
0x17: {  	[sflag:s8] =	ssyncset.done $0x0  }
0x18: {  	[sflag:s8] =	ssyncadd.s32 $0xFFFF9C00  }
0x19: {  	[tilespmem:s10], [sflag:$0x1] =	stream.indirect.gather [hbm4b:s3+s9], $0x20, s1, s9, $0xb8;
	[tilespmem:$0x1A400] =	vst v63  }
0x1a: {  	s7 =	simm.s32 $0x7400  }
0x1b: {  	[tilespmem:s7], [sflag:$0x1] =	stream.indirect.gather [hbm4b:s3+s9], $0x20, s9, s9, $0xb8;
	[tilespmem:$0x1A400] =	vst v63  }
0x1c: {  	s21 =	simm.s32 $0x100;
	s13 =	simm.s32 $0x8400  }
0x1d: {  	[tilespmem:s13], [sflag:$0x1] =	stream.indirect.gather [hbm4b:s3+s9], $0x20, s21, s9, $0xb8;
	[tilespmem:$0x1A400] =	vst v63  }
0x1e: {  	s22 =	simm.s32 $0x180;
	s23 =	simm.s32 $0x9400  }
0x1f: {  	[tilespmem:s23], [sflag:$0x1] =	stream.indirect.gather [hbm4b:s3+s9], $0x20, s22, s9, $0xb8;
	[tilespmem:$0x1A400] =	vst v63  }
0x20: {  	s24 =	simm.s32 $0x200;
	s25 =	simm.s32 $0xA400  }
0x21: {  	[tilespmem:s25], [sflag:$0x1] =	stream.indirect.gather [hbm4b:s3+s9], $0x20, s24, s9, $0xb8;
	[tilespmem:$0x1A400] =	vst v63  }
0x22: {  	s26 =	simm.s32 $0x280;
	s28 =	simm.s32 $0xB400  }
0x23: {  	[tilespmem:s28], [sflag:$0x1] =	stream.indirect.gather [hbm4b:s3+s9], $0x20, s26, s9, $0xb8;
	[tilespmem:$0x1A400] =	vst v63  }
0x24: {  	s14 =	simm.s32 $0x300;
	s15 =	simm.s32 $0xC400  }
0x25: {  	[tilespmem:s15], [sflag:$0x1] =	stream.indirect.gather [hbm4b:s3+s9], $0x20, s14, s9, $0xb8;
	[tilespmem:$0x1A400] =	vst v63  }
0x26: {  	s16 =	simm.s32 $0x380;
	s18 =	simm.s32 $0xD400  }
0x27: {  	[tilespmem:s18], [sflag:$0x1] =	stream.indirect.gather [hbm4b:s3+s9], $0x20, s16, s9, $0xb8;
	[tilespmem:$0x1A400] =	vst v63  }
0x28: {  	s19 =	simm.s32 $0x400;
	s20 =	simm.s32 $0xE400;
	p0 =	por $0x1, $0x1  }
0x29: {  	[tilespmem:s20], [sflag:$0x1] =	stream.indirect.gather [hbm4b:s3+s9], $0x20, s19, s9, $0xb8;
	[tilespmem:$0x1A400] =	vst v63  }
0x2a: {  	s7 =	simm.s32 @!p0 $0x4;
	s21 =	simm.s32 $0x480;
	s22 =	simm.s32 $0xF400  }
0x2b: {  	[tilespmem:s22], [sflag:$0x1] =	stream.indirect.gather [hbm4b:s3+s9], $0x20, s21, s9, $0xb8;
	[tilespmem:$0x1A400] =	vst v63  }
0x2c: {  	_ =	swait.ge @!p0 [sflag:s7], $0xA000  }
0x2d: {  	[sflag:s7] =	ssyncset.done @!p0 $0x0  }
0x2e: {  	s23 =	simm.s32 $0x500;
	[sflag:s7] =	ssyncadd.s32 @!p0 $0xFFFF6000  }
0x2f: {  	[tilespmem:s29], [sflag:$0x2] =	stream.indirect.gather [hbm4b:s3+s9], $0x20, s23, s9, $0xb8;
	[tilespmem:$0x1A400] =	vst v63  }
0x30: {  	s24 =	simm.s32 $0x580;
	s14 =	rddreg [dreg:$0x3]  }
0x31: {  	[tilespmem:s14], [sflag:$0x2] =	stream.indirect.gather [hbm4b:s3+s9], $0x20, s24, s9, $0xb8;
	[tilespmem:$0x1A400] =	vst v63  }
0x32: {  	s26 =	simm.s32 $0x600;
	s25 =	rddreg [dreg:$0x4]  }
0x33: {  	[tilespmem:s25], [sflag:$0x2] =	stream.indirect.gather [hbm4b:s3+s9], $0x20, s26, s9, $0xb8;
	[tilespmem:$0x1A400] =	vst v63  }
0x34: {  	s13 =	simm.s32 $0x680;
	s28 =	rddreg [dreg:$0x5]  }
0x35: {  	[tilespmem:s28], [sflag:$0x2] =	stream.indirect.gather [hbm4b:s3+s9], $0x20, s13, s9, $0xb8;
	[tilespmem:$0x1A400] =	vst v63  }
0x36: {  	s16 =	simm.s32 $0x700;
	s15 =	rddreg [dreg:$0x6]  }
0x37: {  	[tilespmem:s15], [sflag:$0x2] =	stream.indirect.gather [hbm4b:s3+s9], $0x20, s16, s9, $0xb8;
	[tilespmem:$0x1A400] =	vst v63  }
0x38: {  	s19 =	simm.s32 $0x780;
	s18 =	rddreg [dreg:$0x7]  }
0x39: {  	[tilespmem:s18], [sflag:$0x2] =	stream.indirect.gather [hbm4b:s3+s9], $0x20, s19, s9, $0xb8;
	[tilespmem:$0x1A400] =	vst v63  }
0x3a: {  	s21 =	simm.s32 $0x800;
	s20 =	rddreg [dreg:$0x8]  }
0x3b: {  	[tilespmem:s20], [sflag:$0x2] =	stream.indirect.gather [hbm4b:s3+s9], $0x20, s21, s9, $0xb8;
	[tilespmem:$0x1A400] =	vst v63  }
0x3c: {  	s22 =	rddreg [dreg:$0x9];
	s23 =	simm.s32 $0x880  }
0x3d: {  	[tilespmem:s22], [sflag:$0x2] =	stream.indirect.gather [hbm4b:s3+s9], $0x20, s23, s9, $0xb8;
	[tilespmem:$0x1A400] =	vst v63  }
0x3e: {  	s24 =	rddreg [dreg:$0xa];
	s25 =	simm.s32 $0x900  }
0x3f: {  	[tilespmem:s24], [sflag:$0x2] =	stream.indirect.gather [hbm4b:s3+s9], $0x20, s25, s9, $0xb8;
	[tilespmem:$0x1A400] =	vst v63  }
0x40: {  	s26 =	rddreg [dreg:$0xb];
	s28 =	simm.s32 $0x980  }
0x41: {  	[tilespmem:s26], [sflag:$0x2] =	stream.indirect.gather [hbm4b:s3+s9], $0x20, s28, s9, $0xb8;
	[tilespmem:$0x1A400] =	vst v63  }
0x42: {  	_ =	swait.ge [sflag:s30], $0x1000  }
0x43: {  	[sflag:s30] =	ssyncset.done $0x0  }
0x44: {  	[sflag:s30] =	ssyncadd.s32 $0xFFFFF000  }
0x45: {  	_ =	swait.ge [sflag:s30], $0x1000  }
0x46: {  	[sflag:s30] =	ssyncset.done $0x0  }
0x47: {  	[sflag:s30] =	ssyncadd.s32 $0xFFFFF000  }
0x48: {  	_ =	swait.ge [sflag:s30], $0x1000  }
0x49: {  	[sflag:s30] =	ssyncset.done $0x0  }
0x4a: {  	[sflag:s30] =	ssyncadd.s32 $0xFFFFF000  }
0x4b: {  	_ =	swait.ge [sflag:s30], $0x1000  }
0x4c: {  	[sflag:s30] =	ssyncset.done $0x0  }
0x4d: {  	[sflag:s30] =	ssyncadd.s32 $0xFFFFF000  }
0x4e: {  	_ =	swait.ge [sflag:s30], $0x1000  }
0x4f: {  	[sflag:s30] =	ssyncset.done $0x0  }
0x50: {  	[sflag:s30] =	ssyncadd.s32 $0xFFFFF000  }
0x51: {  	_ =	swait.ge [sflag:s30], $0x1000  }
0x52: {  	[sflag:s30] =	ssyncset.done $0x0  }
0x53: {  	[sflag:s30] =	ssyncadd.s32 $0xFFFFF000  }
0x54: {  	_ =	swait.ge [sflag:s30], $0x1000  }
0x55: {  	[sflag:s30] =	ssyncset.done $0x0  }
0x56: {  	[sflag:s30] =	ssyncadd.s32 $0xFFFFF000  }
0x57: {  	_ =	swait.ge [sflag:s30], $0x1000  }
0x58: {  	[sflag:s30] =	ssyncset.done $0x0  }
0x59: {  	[sflag:s30] =	ssyncadd.s32 $0xFFFFF000  }
0x5a: {  	_ =	swait.ge [sflag:s30], $0x1000  }
0x5b: {  	[sflag:s30] =	ssyncset.done $0x0  }
0x5c: {  	[sflag:s30] =	ssyncadd.s32 $0xFFFFF000  }
0x5d: {  	_ =	swait.ge [sflag:s30], $0x1000  }
0x5e: {  	p0 =	por $0x0, $0x0;
	[sflag:s30] =	ssyncset.done $0x0  }
0x5f: {  	s7 =	simm.s32 @!p0 $0x3;
	[sflag:s30] =	ssyncadd.s32 $0xFFFFF000  }
0x60: {  	[hbm4b:s6+s31] =	stream.strided.scatter [tilespmem:s10], [sflag:$0x3], $0xA000, s9, s31, $0x38;
	[tilespmem:$0x1A400] =	vst v63  }
0x61: {  	_ =	swait.ge @!p0 [sflag:s7], $0xA000  }
0x62: {  	s14 =	simm.s32 @!p0 $0x80;
	[sflag:s7] =	ssyncset.done @!p0 $0x0  }
0x63: {  	s13 =	simm.s32 @!p0 $0xA00;
	s15 =	simm.s32 @!p0 $0x6400;
	[sflag:s7] =	ssyncadd.s32 @!p0 $0xFFFF6000  }
0x64: {  	[tilespmem:s15], [sflag:$0x1] =	stream.indirect.gather @!p0 [hbm4b:s3+s14], $0x20, s13, s14, $0xb8;
	[tilespmem:$0x1A400] =	vst v63  }
0x65: {  	s7 =	simm.s32 @!p0 $0xA80;
	s13 =	simm.s32 @!p0 $0x7400  }
0x66: {  	[tilespmem:s13], [sflag:$0x1] =	stream.indirect.gather @!p0 [hbm4b:s3+s14], $0x20, s7, s14, $0xb8;
	[tilespmem:$0x1A400] =	vst v63  }
0x67: {  	s7 =	simm.s32 @!p0 $0xB00;
	s13 =	simm.s32 @!p0 $0x8400  }
0x68: {  	[tilespmem:s13], [sflag:$0x1] =	stream.indirect.gather @!p0 [hbm4b:s3+s14], $0x20, s7, s14, $0xb8;
	[tilespmem:$0x1A400] =	vst v63  }
0x69: {  	s7 =	simm.s32 @!p0 $0xB80;
	s13 =	simm.s32 @!p0 $0x9400  }
0x6a: {  	[tilespmem:s13], [sflag:$0x1] =	stream.indirect.gather @!p0 [hbm4b:s3+s14], $0x20, s7, s14, $0xb8;
	[tilespmem:$0x1A400] =	vst v63  }
0x6b: {  	s7 =	simm.s32 @!p0 $0xC00;
	s13 =	simm.s32 @!p0 $0xA400  }
0x6c: {  	[tilespmem:s13], [sflag:$0x1] =	stream.indirect.gather @!p0 [hbm4b:s3+s14], $0x20, s7, s14, $0xb8;
	[tilespmem:$0x1A400] =	vst v63  }
0x6d: {  	s7 =	simm.s32 @!p0 $0xC80;
	s13 =	simm.s32 @!p0 $0xB400  }
0x6e: {  	[tilespmem:s13], [sflag:$0x1] =	stream.indirect.gather @!p0 [hbm4b:s3+s14], $0x20, s7, s14, $0xb8;
	[tilespmem:$0x1A400] =	vst v63  }
0x6f: {  	s7 =	simm.s32 @!p0 $0xD00;
	s13 =	simm.s32 @!p0 $0xC400  }
0x70: {  	[tilespmem:s13], [sflag:$0x1] =	stream.indirect.gather @!p0 [hbm4b:s3+s14], $0x20, s7, s14, $0xb8;
	[tilespmem:$0x1A400] =	vst v63  }
0x71: {  	s7 =	simm.s32 @!p0 $0xD80;
	s13 =	simm.s32 @!p0 $0xD400  }
0x72: {  	[tilespmem:s13], [sflag:$0x1] =	stream.indirect.gather @!p0 [hbm4b:s3+s14], $0x20, s7, s14, $0xb8;
	[tilespmem:$0x1A400] =	vst v63  }
0x73: {  	s7 =	simm.s32 @!p0 $0xE00;
	s13 =	simm.s32 @!p0 $0xE400  }
0x74: {  	[tilespmem:s13], [sflag:$0x1] =	stream.indirect.gather @!p0 [hbm4b:s3+s14], $0x20, s7, s14, $0xb8;
	[tilespmem:$0x1A400] =	vst v63  }
0x75: {  	s7 =	simm.s32 @!p0 $0xE80;
	s13 =	simm.s32 @!p0 $0xF400  }
0x76: {  	[tilespmem:s13], [sflag:$0x1] =	stream.indirect.gather @!p0 [hbm4b:s3+s14], $0x20, s7, s14, $0xb8;
	[tilespmem:$0x1A400] =	vst v63  }
0x77: {  	_ =	swait.ge [sflag:s0], $0x1000  }
0x78: {  	[sflag:s0] =	ssyncset.done $0x0  }
0x79: {  	[sflag:s0] =	ssyncadd.s32 $0xFFFFF000  }
0x7a: {  	_ =	swait.ge [sflag:s0], $0x1000  }
0x7b: {  	[sflag:s0] =	ssyncset.done $0x0  }
0x7c: {  	[sflag:s0] =	ssyncadd.s32 $0xFFFFF000  }
0x7d: {  	_ =	swait.ge [sflag:s0], $0x1000  }
0x7e: {  	[sflag:s0] =	ssyncset.done $0x0  }
0x7f: {  	[sflag:s0] =	ssyncadd.s32 $0xFFFFF000  }
0x80: {  	_ =	swait.ge [sflag:s0], $0x1000  }
0x81: {  	[sflag:s0] =	ssyncset.done $0x0  }
0x82: {  	[sflag:s0] =	ssyncadd.s32 $0xFFFFF000  }
0x83: {  	_ =	swait.ge [sflag:s0], $0x1000  }
0x84: {  	[sflag:s0] =	ssyncset.done $0x0  }
0x85: {  	[sflag:s0] =	ssyncadd.s32 $0xFFFFF000  }
0x86: {  	_ =	swait.ge [sflag:s0], $0x1000  }
0x87: {  	[sflag:s0] =	ssyncset.done $0x0  }
0x88: {  	[sflag:s0] =	ssyncadd.s32 $0xFFFFF000  }
0x89: {  	_ =	swait.ge [sflag:s0], $0x1000  }
0x8a: {  	[sflag:s0] =	ssyncset.done $0x0  }
0x8b: {  	[sflag:s0] =	ssyncadd.s32 $0xFFFFF000  }
0x8c: {  	_ =	swait.ge [sflag:s0], $0x1000  }
0x8d: {  	[sflag:s0] =	ssyncset.done $0x0  }
0x8e: {  	[sflag:s0] =	ssyncadd.s32 $0xFFFFF000  }
0x8f: {  	_ =	swait.ge [sflag:s0], $0x1000  }
0x90: {  	p1 =	por $0x0, $0x0;
	s16 =	simm.s32 $0x5000;
	[sflag:s0] =	ssyncset.done $0x0  }
0x91: {  	s15 =	simm.s32 $0x2800;
	s13 =	sadd.s32 $0xA000, s17;
	[sflag:s0] =	ssyncadd.s32 $0xFFFFF000  }
0x92: {  	s14 =	sadd.s32 $0xA000, s6;
	s7 =	smov.u32 s17;
	_ =	swait.ge [sflag:s0], $0x1000  }
.LBB2_2:
0x93: {  	[sflag:s0] =	ssyncset.done $0x0  }
0x94: {  	s19 =	simm.s32 @!p1 $0x4;
	[sflag:s0] =	ssyncadd.s32 $0xFFFFF000  }
0x95: {  	[hbm4b:s7+s31] =	stream.strided.scatter [tilespmem:s29], [sflag:$0x4], $0xA000, s9, s31, $0x38;
	[tilespmem:$0x1A400] =	vst v63  }
0x96: {  	_ =	swait.ge @!p1 [sflag:s19], $0xA000  }
0x97: {  	s20 =	sshra.s32 s15, $0x2;
	[sflag:s19] =	ssyncset.done @!p1 $0x0  }
0x98: {  	s21 =	sadd.s32 $0x500, s20;
	[sflag:s19] =	ssyncadd.s32 @!p1 $0xFFFF6000  }
0x99: {  	[tilespmem:s29], [sflag:$0x2] =	stream.indirect.gather [hbm4b:s3+s9], $0x20, s21, s9, $0xb8;
	[tilespmem:$0x1A400] =	vst v63  }
0x9a: {  	s22 =	rddreg [dreg:$0x3];
	s21 =	sadd.s32 $0x580, s20  }
0x9b: {  	[tilespmem:s22], [sflag:$0x2] =	stream.indirect.gather [hbm4b:s3+s9], $0x20, s21, s9, $0xb8;
	[tilespmem:$0x1A400] =	vst v63  }
0x9c: {  	s24 =	sadd.s32 $0x600, s20;
	s23 =	rddreg [dreg:$0x4]  }
0x9d: {  	[tilespmem:s23], [sflag:$0x2] =	stream.indirect.gather [hbm4b:s3+s9], $0x20, s24, s9, $0xb8;
	[tilespmem:$0x1A400] =	vst v63  }
0x9e: {  	s26 =	sadd.s32 $0x680, s20;
	s25 =	rddreg [dreg:$0x5]  }
0x9f: {  	[tilespmem:s25], [sflag:$0x2] =	stream.indirect.gather [hbm4b:s3+s9], $0x20, s26, s9, $0xb8;
	[tilespmem:$0x1A400] =	vst v63  }
0xa0: {  	s28 =	rddreg [dreg:$0x6];
	s22 =	sadd.s32 $0x700, s20  }
0xa1: {  	[tilespmem:s28], [sflag:$0x2] =	stream.indirect.gather [hbm4b:s3+s9], $0x20, s22, s9, $0xb8;
	[tilespmem:$0x1A400] =	vst v63  }
0xa2: {  	s23 =	rddreg [dreg:$0x7];
	s24 =	sadd.s32 $0x780, s20  }
0xa3: {  	[tilespmem:s23], [sflag:$0x2] =	stream.indirect.gather [hbm4b:s3+s9], $0x20, s24, s9, $0xb8;
	[tilespmem:$0x1A400] =	vst v63  }
0xa4: {  	s25 =	rddreg [dreg:$0x8];
	s26 =	sadd.s32 $0x800, s20  }
0xa5: {  	[tilespmem:s25], [sflag:$0x2] =	stream.indirect.gather [hbm4b:s3+s9], $0x20, s26, s9, $0xb8;
	[tilespmem:$0x1A400] =	vst v63  }
0xa6: {  	s28 =	rddreg [dreg:$0x9];
	s23 =	sadd.s32 $0x880, s20  }
0xa7: {  	[tilespmem:s28], [sflag:$0x2] =	stream.indirect.gather [hbm4b:s3+s9], $0x20, s23, s9, $0xb8;
	[tilespmem:$0x1A400] =	vst v63  }
0xa8: {  	s24 =	rddreg [dreg:$0xa];
	s25 =	sadd.s32 $0x900, s20  }
0xa9: {  	[tilespmem:s24], [sflag:$0x2] =	stream.indirect.gather [hbm4b:s3+s9], $0x20, s25, s9, $0xb8;
	[tilespmem:$0x1A400] =	vst v63  }
0xaa: {  	s26 =	rddreg [dreg:$0xb];
	s28 =	sadd.s32 $0x980, s20  }
0xab: {  	[tilespmem:s26], [sflag:$0x2] =	stream.indirect.gather [hbm4b:s3+s9], $0x20, s28, s9, $0xb8;
	[tilespmem:$0x1A400] =	vst v63  }
0xac: {  	_ =	swait.ge [sflag:s30], $0x1000  }
0xad: {  	[sflag:s30] =	ssyncset.done $0x0  }
0xae: {  	[sflag:s30] =	ssyncadd.s32 $0xFFFFF000  }
0xaf: {  	_ =	swait.ge [sflag:s30], $0x1000  }
0xb0: {  	[sflag:s30] =	ssyncset.done $0x0  }
0xb1: {  	[sflag:s30] =	ssyncadd.s32 $0xFFFFF000  }
0xb2: {  	_ =	swait.ge [sflag:s30], $0x1000  }
0xb3: {  	[sflag:s30] =	ssyncset.done $0x0  }
0xb4: {  	[sflag:s30] =	ssyncadd.s32 $0xFFFFF000  }
0xb5: {  	_ =	swait.ge [sflag:s30], $0x1000  }
0xb6: {  	[sflag:s30] =	ssyncset.done $0x0  }
0xb7: {  	[sflag:s30] =	ssyncadd.s32 $0xFFFFF000  }
0xb8: {  	_ =	swait.ge [sflag:s30], $0x1000  }
0xb9: {  	[sflag:s30] =	ssyncset.done $0x0  }
0xba: {  	[sflag:s30] =	ssyncadd.s32 $0xFFFFF000  }
0xbb: {  	_ =	swait.ge [sflag:s30], $0x1000  }
0xbc: {  	[sflag:s30] =	ssyncset.done $0x0  }
0xbd: {  	[sflag:s30] =	ssyncadd.s32 $0xFFFFF000  }
0xbe: {  	_ =	swait.ge [sflag:s30], $0x1000  }
0xbf: {  	[sflag:s30] =	ssyncset.done $0x0  }
0xc0: {  	[sflag:s30] =	ssyncadd.s32 $0xFFFFF000  }
0xc1: {  	_ =	swait.ge [sflag:s30], $0x1000  }
0xc2: {  	[sflag:s30] =	ssyncset.done $0x0  }
0xc3: {  	[sflag:s30] =	ssyncadd.s32 $0xFFFFF000  }
0xc4: {  	_ =	swait.ge [sflag:s30], $0x1000  }
0xc5: {  	[sflag:s30] =	ssyncset.done $0x0  }
0xc6: {  	[sflag:s30] =	ssyncadd.s32 $0xFFFFF000  }
0xc7: {  	_ =	swait.ge [sflag:s30], $0x1000  }
0xc8: {  	p1 =	seq.s32 s15, $0x16800;
	[sflag:s30] =	ssyncset.done $0x0  }
0xc9: {  	s19 =	simm.s32 @!p1 $0x3;
	[sflag:s30] =	ssyncadd.s32 $0xFFFFF000  }
0xca: {  	[hbm4b:s14+s31] =	stream.strided.scatter [tilespmem:s10], [sflag:$0x3], $0xA000, s9, s31, $0x38;
	[tilespmem:$0x1A400] =	vst v63  }
0xcb: {  	_ =	swait.ge @!p1 [sflag:s19], $0xA000  }
0xcc: {  	s15 =	sshra.s32 @!p1 s15, $0x2;
	s22 =	simm.s32 @!p1 $0x80;
	[sflag:s19] =	ssyncset.done @!p1 $0x0  }
0xcd: {  	s20 =	sadd.s32 @!p1 $0xA00, s15;
	s23 =	simm.s32 @!p1 $0x6400;
	[sflag:s19] =	ssyncadd.s32 @!p1 $0xFFFF6000  }
0xce: {  	[tilespmem:s23], [sflag:$0x1] =	stream.indirect.gather @!p1 [hbm4b:s3+s22], $0x20, s20, s22, $0xb8;
	[tilespmem:$0x1A400] =	vst v63  }
0xcf: {  	s21 =	sadd.s32 @!p1 $0xA80, s15;
	s19 =	simm.s32 @!p1 $0x7400  }
0xd0: {  	[tilespmem:s19], [sflag:$0x1] =	stream.indirect.gather @!p1 [hbm4b:s3+s22], $0x20, s21, s22, $0xb8;
	[tilespmem:$0x1A400] =	vst v63  }
0xd1: {  	s18 =	smov.u32 s16;
	s24 =	sadd.s32 @!p1 $0xB00, s15;
	s20 =	simm.s32 @!p1 $0x8400  }
0xd2: {  	[tilespmem:s20], [sflag:$0x1] =	stream.indirect.gather @!p1 [hbm4b:s3+s22], $0x20, s24, s22, $0xb8;
	[tilespmem:$0x1A400] =	vst v63  }
0xd3: {  	s25 =	sadd.s32 @!p1 $0xC00, s15;
	s23 =	sadd.s32 @!p1 $0xB80, s15;
	s19 =	simm.s32 @!p1 $0x9400  }
0xd4: {  	[tilespmem:s19], [sflag:$0x1] =	stream.indirect.gather @!p1 [hbm4b:s3+s22], $0x20, s23, s22, $0xb8;
	[tilespmem:$0x1A400] =	vst v63  }
0xd5: {  	s26 =	sadd.s32 @!p1 $0xD00, s15;
	s28 =	sadd.s32 @!p1 $0xE00, s15;
	s20 =	simm.s32 @!p1 $0xA400  }
0xd6: {  	[tilespmem:s20], [sflag:$0x1] =	stream.indirect.gather @!p1 [hbm4b:s3+s22], $0x20, s25, s22, $0xb8;
	[tilespmem:$0x1A400] =	vst v63  }
0xd7: {  	s21 =	sadd.s32 @!p1 $0xC80, s15;
	s24 =	sadd.s32 @!p1 $0xD80, s15;
	s19 =	simm.s32 @!p1 $0xB400  }
0xd8: {  	[tilespmem:s19], [sflag:$0x1] =	stream.indirect.gather @!p1 [hbm4b:s3+s22], $0x20, s21, s22, $0xb8;
	[tilespmem:$0x1A400] =	vst v63  }
0xd9: {  	s23 =	sadd.s32 @!p1 $0xE80, s15;
	s15 =	smov.u32 s18;
	s18 =	simm.s32 @!p1 $0xC400  }
0xda: {  	[tilespmem:s18], [sflag:$0x1] =	stream.indirect.gather @!p1 [hbm4b:s3+s22], $0x20, s26, s22, $0xb8;
	[tilespmem:$0x1A400] =	vst v63  }
0xdb: {  	s19 =	simm.s32 @!p1 $0xD400  }
0xdc: {  	[tilespmem:s19], [sflag:$0x1] =	stream.indirect.gather @!p1 [hbm4b:s3+s22], $0x20, s24, s22, $0xb8;
	[tilespmem:$0x1A400] =	vst v63  }
0xdd: {  	s18 =	simm.s32 @!p1 $0xE400  }
0xde: {  	[tilespmem:s18], [sflag:$0x1] =	stream.indirect.gather @!p1 [hbm4b:s3+s22], $0x20, s28, s22, $0xb8;
	[tilespmem:$0x1A400] =	vst v63  }
0xdf: {  	s19 =	simm.s32 @!p1 $0xF400  }
0xe0: {  	[tilespmem:s19], [sflag:$0x1] =	stream.indirect.gather @!p1 [hbm4b:s3+s22], $0x20, s23, s22, $0xb8;
	[tilespmem:$0x1A400] =	vst v63  }
0xe1: {  	_ =	swait.ge [sflag:s0], $0x1000  }
0xe2: {  	[sflag:s0] =	ssyncset.done $0x0  }
0xe3: {  	[sflag:s0] =	ssyncadd.s32 $0xFFFFF000  }
0xe4: {  	_ =	swait.ge [sflag:s0], $0x1000  }
0xe5: {  	[sflag:s0] =	ssyncset.done $0x0  }
0xe6: {  	[sflag:s0] =	ssyncadd.s32 $0xFFFFF000  }
0xe7: {  	_ =	swait.ge [sflag:s0], $0x1000  }
0xe8: {  	[sflag:s0] =	ssyncset.done $0x0  }
0xe9: {  	[sflag:s0] =	ssyncadd.s32 $0xFFFFF000  }
0xea: {  	_ =	swait.ge [sflag:s0], $0x1000  }
0xeb: {  	[sflag:s0] =	ssyncset.done $0x0  }
0xec: {  	[sflag:s0] =	ssyncadd.s32 $0xFFFFF000  }
0xed: {  	_ =	swait.ge [sflag:s0], $0x1000  }
0xee: {  	[sflag:s0] =	ssyncset.done $0x0  }
0xef: {  	[sflag:s0] =	ssyncadd.s32 $0xFFFFF000  }
0xf0: {  	_ =	swait.ge [sflag:s0], $0x1000  }
0xf1: {  	[sflag:s0] =	ssyncset.done $0x0  }
0xf2: {  	[sflag:s0] =	ssyncadd.s32 $0xFFFFF000  }
0xf3: {  	_ =	swait.ge [sflag:s0], $0x1000  }
0xf4: {  	[sflag:s0] =	ssyncset.done $0x0  }
0xf5: {  	[sflag:s0] =	ssyncadd.s32 $0xFFFFF000  }
0xf6: {  	s16 =	sadd.s32 $0x2800, s16;
	_ =	swait.ge [sflag:s0], $0x1000  }
0xf7: {  	p0 =	sne.s32 s16, $0x19000;
	[sflag:s0] =	ssyncset.done $0x0  }
.Ltmp0:
0xf8: {  	[sflag:s0] =	ssyncadd.s32 $0xFFFFF000;
	(pc) =	sbr.rel @p0 .LBB2_2-.Ltmp0, $4  }
0xf9: {  	_ =	swait.ge [sflag:s0], $0x1000  }
0xfa: {  	[sflag:s0] =	ssyncset.done $0x0  }
0xfb: {  	s7 =	smov.u32 s13;
	s13 =	sadd.s32 $0xA000, s13;
	[sflag:s0] =	ssyncadd.s32 $0xFFFFF000  }
0xfc: {  	s14 =	sadd.s32 $0xA000, s14;
	p1 =	seq.s32 s15, $0x0;
	_ =	swait.ge [sflag:s0], $0x1000  }
0xfd: {  	[sflag:s0] =	ssyncset.done $0x0  }
0xfe: {  	s16 =	simm.s32 @!p1 $0x4;
	[sflag:s0] =	ssyncadd.s32 $0xFFFFF000  }
0xff: {  	[hbm4b:s7+s31] =	stream.strided.scatter [tilespmem:s29], [sflag:$0x4], $0xA000, s9, s31, $0x38;
	[tilespmem:$0x1A400] =	vst v63  }
0x100: {  	_ =	swait.ge @!p1 [sflag:s16], $0xA000  }
0x101: {  	s7 =	sshra.s32 s15, $0x2;
	[sflag:s16] =	ssyncset.done @!p1 $0x0  }
0x102: {  	s18 =	sadd.s32 $0x500, s7;
	[sflag:s16] =	ssyncadd.s32 @!p1 $0xFFFF6000  }
0x103: {  	[tilespmem:s29], [sflag:$0x2] =	stream.indirect.gather [hbm4b:s3+s9], $0x20, s18, s9, $0xb8;
	[tilespmem:$0x1A400] =	vst v63  }
0x104: {  	s20 =	sadd.s32 $0x580, s7;
	s19 =	rddreg [dreg:$0x3]  }
0x105: {  	[tilespmem:s19], [sflag:$0x2] =	stream.indirect.gather [hbm4b:s3+s9], $0x20, s20, s9, $0xb8;
	[tilespmem:$0x1A400] =	vst v63  }
0x106: {  	s22 =	sadd.s32 $0x600, s7;
	s21 =	rddreg [dreg:$0x4]  }
0x107: {  	[tilespmem:s21], [sflag:$0x2] =	stream.indirect.gather [hbm4b:s3+s9], $0x20, s22, s9, $0xb8;
	[tilespmem:$0x1A400] =	vst v63  }
0x108: {  	s24 =	sadd.s32 $0x680, s7;
	s23 =	rddreg [dreg:$0x5]  }
0x109: {  	[tilespmem:s23], [sflag:$0x2] =	stream.indirect.gather [hbm4b:s3+s9], $0x20, s24, s9, $0xb8;
	[tilespmem:$0x1A400] =	vst v63  }
0x10a: {  	s26 =	sadd.s32 $0x700, s7;
	s25 =	rddreg [dreg:$0x6]  }
0x10b: {  	[tilespmem:s25], [sflag:$0x2] =	stream.indirect.gather [hbm4b:s3+s9], $0x20, s26, s9, $0xb8;
	[tilespmem:$0x1A400] =	vst v63  }
0x10c: {  	s28 =	rddreg [dreg:$0x7];
	s20 =	sadd.s32 $0x780, s7  }
0x10d: {  	[tilespmem:s28], [sflag:$0x2] =	stream.indirect.gather [hbm4b:s3+s9], $0x20, s20, s9, $0xb8;
	[tilespmem:$0x1A400] =	vst v63  }
0x10e: {  	s21 =	rddreg [dreg:$0x8];
	s22 =	sadd.s32 $0x800, s7  }
0x10f: {  	[tilespmem:s21], [sflag:$0x2] =	stream.indirect.gather [hbm4b:s3+s9], $0x20, s22, s9, $0xb8;
	[tilespmem:$0x1A400] =	vst v63  }
0x110: {  	s23 =	rddreg [dreg:$0x9];
	s24 =	sadd.s32 $0x880, s7  }
0x111: {  	[tilespmem:s23], [sflag:$0x2] =	stream.indirect.gather [hbm4b:s3+s9], $0x20, s24, s9, $0xb8;
	[tilespmem:$0x1A400] =	vst v63  }
0x112: {  	s25 =	rddreg [dreg:$0xa];
	s26 =	sadd.s32 $0x900, s7  }
0x113: {  	[tilespmem:s25], [sflag:$0x2] =	stream.indirect.gather [hbm4b:s3+s9], $0x20, s26, s9, $0xb8;
	[tilespmem:$0x1A400] =	vst v63  }
0x114: {  	s7 =	sadd.s32 $0x980, s7;
	s28 =	rddreg [dreg:$0xb]  }
0x115: {  	[tilespmem:s28], [sflag:$0x2] =	stream.indirect.gather [hbm4b:s3+s9], $0x20, s7, s9, $0xb8;
	[tilespmem:$0x1A400] =	vst v63  }
0x116: {  	_ =	swait.ge [sflag:s30], $0x1000  }
0x117: {  	[sflag:s30] =	ssyncset.done $0x0  }
0x118: {  	[sflag:s30] =	ssyncadd.s32 $0xFFFFF000  }
0x119: {  	_ =	swait.ge [sflag:s30], $0x1000  }
0x11a: {  	[sflag:s30] =	ssyncset.done $0x0  }
0x11b: {  	[sflag:s30] =	ssyncadd.s32 $0xFFFFF000  }
0x11c: {  	_ =	swait.ge [sflag:s30], $0x1000  }
0x11d: {  	[sflag:s30] =	ssyncset.done $0x0  }
0x11e: {  	[sflag:s30] =	ssyncadd.s32 $0xFFFFF000  }
0x11f: {  	_ =	swait.ge [sflag:s30], $0x1000  }
0x120: {  	[sflag:s30] =	ssyncset.done $0x0  }
0x121: {  	[sflag:s30] =	ssyncadd.s32 $0xFFFFF000  }
0x122: {  	_ =	swait.ge [sflag:s30], $0x1000  }
0x123: {  	[sflag:s30] =	ssyncset.done $0x0  }
0x124: {  	[sflag:s30] =	ssyncadd.s32 $0xFFFFF000  }
0x125: {  	_ =	swait.ge [sflag:s30], $0x1000  }
0x126: {  	[sflag:s30] =	ssyncset.done $0x0  }
0x127: {  	[sflag:s30] =	ssyncadd.s32 $0xFFFFF000  }
0x128: {  	_ =	swait.ge [sflag:s30], $0x1000  }
0x129: {  	[sflag:s30] =	ssyncset.done $0x0  }
0x12a: {  	[sflag:s30] =	ssyncadd.s32 $0xFFFFF000  }
0x12b: {  	_ =	swait.ge [sflag:s30], $0x1000  }
0x12c: {  	[sflag:s30] =	ssyncset.done $0x0  }
0x12d: {  	[sflag:s30] =	ssyncadd.s32 $0xFFFFF000  }
0x12e: {  	_ =	swait.ge [sflag:s30], $0x1000  }
0x12f: {  	[sflag:s30] =	ssyncset.done $0x0  }
0x130: {  	[sflag:s30] =	ssyncadd.s32 $0xFFFFF000  }
0x131: {  	_ =	swait.ge [sflag:s30], $0x1000  }
0x132: {  	p0 =	seq.s32 s15, $0x16800;
	[sflag:s30] =	ssyncset.done $0x0  }
0x133: {  	s7 =	simm.s32 @!p0 $0x3;
	[sflag:s30] =	ssyncadd.s32 $0xFFFFF000  }
0x134: {  	[hbm4b:s14+s31] =	stream.strided.scatter [tilespmem:s10], [sflag:$0x3], $0xA000, s9, s31, $0x38;
	[tilespmem:$0x1A400] =	vst v63  }
0x135: {  	_ =	swait.ge @!p0 [sflag:s7], $0xA000  }
0x136: {  	s16 =	simm.s32 @!p0 $0x80;
	s14 =	sshra.s32 @!p0 s15, $0x2;
	[sflag:s7] =	ssyncset.done @!p0 $0x0  }
0x137: {  	s18 =	simm.s32 @!p0 $0x6400;
	s15 =	sadd.s32 @!p0 $0xA00, s14;
	[sflag:s7] =	ssyncadd.s32 @!p0 $0xFFFF6000  }
0x138: {  	[tilespmem:s18], [sflag:$0x1] =	stream.indirect.gather @!p0 [hbm4b:s3+s16], $0x20, s15, s16, $0xb8;
	[tilespmem:$0x1A400] =	vst v63  }
0x139: {  	s7 =	sadd.s32 @!p0 $0xA80, s14;
	s15 =	simm.s32 @!p0 $0x7400  }
0x13a: {  	[tilespmem:s15], [sflag:$0x1] =	stream.indirect.gather @!p0 [hbm4b:s3+s16], $0x20, s7, s16, $0xb8;
	[tilespmem:$0x1A400] =	vst v63  }
0x13b: {  	s7 =	sadd.s32 @!p0 $0xB00, s14;
	s15 =	simm.s32 @!p0 $0x8400  }
0x13c: {  	[tilespmem:s15], [sflag:$0x1] =	stream.indirect.gather @!p0 [hbm4b:s3+s16], $0x20, s7, s16, $0xb8;
	[tilespmem:$0x1A400] =	vst v63  }
0x13d: {  	s7 =	sadd.s32 @!p0 $0xB80, s14;
	s15 =	simm.s32 @!p0 $0x9400  }
0x13e: {  	[tilespmem:s15], [sflag:$0x1] =	stream.indirect.gather @!p0 [hbm4b:s3+s16], $0x20, s7, s16, $0xb8;
	[tilespmem:$0x1A400] =	vst v63  }
0x13f: {  	s7 =	sadd.s32 @!p0 $0xC00, s14;
	s15 =	simm.s32 @!p0 $0xA400  }
0x140: {  	[tilespmem:s15], [sflag:$0x1] =	stream.indirect.gather @!p0 [hbm4b:s3+s16], $0x20, s7, s16, $0xb8;
	[tilespmem:$0x1A400] =	vst v63  }
0x141: {  	s7 =	sadd.s32 @!p0 $0xC80, s14;
	s15 =	simm.s32 @!p0 $0xB400  }
0x142: {  	[tilespmem:s15], [sflag:$0x1] =	stream.indirect.gather @!p0 [hbm4b:s3+s16], $0x20, s7, s16, $0xb8;
	[tilespmem:$0x1A400] =	vst v63  }
0x143: {  	s7 =	sadd.s32 @!p0 $0xD00, s14;
	s15 =	simm.s32 @!p0 $0xC400  }
0x144: {  	[tilespmem:s15], [sflag:$0x1] =	stream.indirect.gather @!p0 [hbm4b:s3+s16], $0x20, s7, s16, $0xb8;
	[tilespmem:$0x1A400] =	vst v63  }
0x145: {  	s7 =	sadd.s32 @!p0 $0xD80, s14;
	s15 =	simm.s32 @!p0 $0xD400  }
0x146: {  	[tilespmem:s15], [sflag:$0x1] =	stream.indirect.gather @!p0 [hbm4b:s3+s16], $0x20, s7, s16, $0xb8;
	[tilespmem:$0x1A400] =	vst v63  }
0x147: {  	s7 =	sadd.s32 @!p0 $0xE00, s14;
	s15 =	simm.s32 @!p0 $0xE400  }
0x148: {  	[tilespmem:s15], [sflag:$0x1] =	stream.indirect.gather @!p0 [hbm4b:s3+s16], $0x20, s7, s16, $0xb8;
	[tilespmem:$0x1A400] =	vst v63  }
0x149: {  	s7 =	sadd.s32 @!p0 $0xE80, s14;
	s14 =	simm.s32 @!p0 $0xF400  }
0x14a: {  	[tilespmem:s14], [sflag:$0x1] =	stream.indirect.gather @!p0 [hbm4b:s3+s16], $0x20, s7, s16, $0xb8;
	[tilespmem:$0x1A400] =	vst v63  }
0x14b: {  	_ =	swait.ge [sflag:s0], $0x1000  }
0x14c: {  	[sflag:s0] =	ssyncset.done $0x0  }
0x14d: {  	[sflag:s0] =	ssyncadd.s32 $0xFFFFF000  }
0x14e: {  	_ =	swait.ge [sflag:s0], $0x1000  }
0x14f: {  	[sflag:s0] =	ssyncset.done $0x0  }
0x150: {  	[sflag:s0] =	ssyncadd.s32 $0xFFFFF000  }
0x151: {  	_ =	swait.ge [sflag:s0], $0x1000  }
0x152: {  	[sflag:s0] =	ssyncset.done $0x0  }
0x153: {  	[sflag:s0] =	ssyncadd.s32 $0xFFFFF000  }
0x154: {  	_ =	swait.ge [sflag:s0], $0x1000  }
0x155: {  	[sflag:s0] =	ssyncset.done $0x0  }
0x156: {  	[sflag:s0] =	ssyncadd.s32 $0xFFFFF000  }
0x157: {  	_ =	swait.ge [sflag:s0], $0x1000  }
0x158: {  	[sflag:s0] =	ssyncset.done $0x0  }
0x159: {  	[sflag:s0] =	ssyncadd.s32 $0xFFFFF000  }
0x15a: {  	_ =	swait.ge [sflag:s0], $0x1000  }
0x15b: {  	[sflag:s0] =	ssyncset.done $0x0  }
0x15c: {  	[sflag:s0] =	ssyncadd.s32 $0xFFFFF000  }
0x15d: {  	_ =	swait.ge [sflag:s0], $0x1000  }
0x15e: {  	[sflag:s0] =	ssyncset.done $0x0  }
0x15f: {  	[sflag:s0] =	ssyncadd.s32 $0xFFFFF000  }
0x160: {  	_ =	swait.ge [sflag:s0], $0x1000  }
0x161: {  	[sflag:s0] =	ssyncset.done $0x0  }
0x162: {  	[sflag:s0] =	ssyncadd.s32 $0xFFFFF000  }
0x163: {  	_ =	swait.ge [sflag:s0], $0x1000  }
0x164: {  	[sflag:s0] =	ssyncset.done $0x0  }
0x165: {  	[sflag:s0] =	ssyncadd.s32 $0xFFFFF000  }
0x166: {  	_ =	swait.ge [sflag:s0], $0x1000  }
0x167: {  	[sflag:s0] =	ssyncset.done $0x0  }
0x168: {  	s12 =	sadd.s32 $0x1, s12;
	[sflag:s0] =	ssyncadd.s32 $0xFFFFF000  }
0x169: {  	[hbm4b:s13+s31] =	stream.strided.scatter [tilespmem:s29], [sflag:$0x4], $0xA000, s9, s31, $0x38;
	[tilespmem:$0x1A400] =	vst v63  }
0x16a: {  	p0 =	sne.s32 s12, s5;
	_ =	swait.ge [sflag:s2], $0xA000  }
.Ltmp1:
0x16b: {  	[sflag:s2] =	ssyncset.done $0x0;
	(pc) =	sbr.rel @p0 .LBB2_1-.Ltmp1, $4  }
0x16c: {  	[sflag:s2] =	ssyncadd.s32 $0xFFFF6000  }
0x16d: {  	_ =	swait.ge [sflag:s11], $0xA000  }
0x16e: {  	[sflag:s11] =	ssyncset.done $0x0  }
0x16f: {  	[sflag:s11] =	ssyncadd.s32 $0xFFFF6000  }
0x170: {  	_ =	sfence.sel $0x180000  }
0x171: {  	[bflag:$0x0] =	sbarrier.arrive $0xFFFF  }
0x172: {  	_ =	strace $0x90000047  }
0x173: {  	s0 =	stileid.u32;
	[bflag:$0x2] =	sbarrier.arrive $0xFFFF  }
0x174: {  	p0 =	sne.s32 s0, $0x0;
	s0 =	rddreg [dreg:$0x2]  }
0x175: {  	s0 =	sadd.s32 @!p0 $0x100000, s0  }
0x176: {  	[sflag:s0] =	ssyncadd.tile.s32 @!p0 $0x1;
	_ =	shalt  }
.Lfunc_end2:
_tile_overlayer_lowered:
.L_overlay_start_2:
0x177: {  	(tag) =	ssettag $0x2  }
0x178: {  	s0 =	rddreg [dreg:$0x0];
	s2 =	stileid.u32  }
0x179: {  	s1 =	rddreg [dreg:$0x1];
	p0 =	sne.s32 s2, $0x0  }
0x17a: {  	s3 =	rddreg [dreg:$0x2];
	[bflag:$0x3] =	sbarrier.arrive $0xFFFF;
	s2 =	simm.s32 @!p0 $0x1C05  }
0x17b: {  	[timem:s3], [sflag:s2] =	dma.local @!p0 [hbm:s0], s1  }
0x17c: {  	s0 =	simm.s32 @!p0 $0x5  }
0x17d: {  	_ =	swait.ge @!p0 [sflag:s0], s1  }
0x17e: {  	s1 =	ssub.s32 @!p0 $0x0, s1;
	[sflag:s0] =	ssyncset.done @!p0 $0x0  }
0x17f: {  	[sflag:s0] =	ssyncadd.s32 @!p0 s1  }
0x180: {  	[bflag:$0x3] =	sbarrier.arrive $0xFFFF  }
0x181: {  	_ =	shalt  }

// kernel: sparse-core-data-format-call.cloned.1.call-start
scs
called_computation_lowered:
.L_overlay_start_0:
0x0: {  	s2 =	sld [smem:$0x3FD9]  }
0x1: {  	s3 =	sld [smem:$0x3FFE];
	_ =	sdelay $0x1  }
0x2: {  	s1 =	srdreg.scid  }
0x3: {  	s0 =	sand.u32 $0x1, s1  }
0x4: {  	s18 =	sshll.u32 s0, $0xA;
	s2 =	sadd.s32 s3, s2  }
0x5: {  	s2 =	sadd.s32 s2, s18  }
0x6: {  	[smem:$0x3FC6] =	sst s2  }
0x7: {  	_ = 	snop  }
0x8: {  	s2 =	sld [smem:$0x3FD0];
	(tm) =	ssettm $0x1  }
0x9: {  	s19 =	sld [smem:$0x3FFB];
	_ =	sdelay $0x3  }
0xa: {  	_ =	strace s19  }
0xb: {  	s3 =	sld [smem:$0x3FFC];
	_ =	sdelay $0x3  }
0xc: {  	_ =	strace s3  }
0xd: {  	s3 =	sld [smem:$0x3FFD];
	_ =	sdelay $0x3  }
0xe: {  	_ =	strace s3  }
0xf: {  	_ =	strace $0x8FFFFFFF  }
0x10: {  	s20 =	sld [smem:$0x3FDB];
	_ =	sdelay $0x1  }
0x11: {  	s4 =	simm.s32 $_scs_section_size  }
0x12: {  	s5 =	simm.s32 $_size__tile_overlayer_lowered;
	s6 =	simm.s32 $_tile_overlayer_lowered  }
0x13: {  	s23 =	simm.s32 $0x1BFF;
	s22 =	sshll.u32 s6, $0x1;
	s3 =	sadd.s32 s4, s20  }
0x14: {  	s7 =	simm.s32 $0x0;
	s21 =	sshll.u32 s5, $0x1;
	s5 =	sadd.s32 s22, s3  }
0x15: {  	[timem:s7], [sflag:s23] =	dma.local [hbm:s5], s21  }
0x16: {  	_ =	swait.ge [sflag:s23], s21  }
0x17: {  	s4 =	ssub.s32 $0x0, s21;
	[sflag:s23] =	ssyncset.done $0x0  }
0x18: {  	[sflag:s23] =	ssyncadd.s32 s4;
	_ =	sdelay $0x1  }
0x19: {  	s24 =	simm.s32 $0x1B8B  }
0x1a: {  	_ =	swait.ge [sflag:s24], $0x1  }
0x1b: {  	[sflag:s24] =	ssyncset.done $0x0  }
0x1c: {  	s26 =	simm.s32 $0x1B8E;
	s25 =	sld [smem:$0x3FFE];
	[sflag:s24] =	ssyncadd.s32 $0xFFFFFFFF  }
0x1d: {  	s27 =	simm.s32 $execute0_lowered;
	[smem:$0x3FD2] =	sst s26  }
0x1e: {  	s5 =	sshll.u32 s27, $0x1;
	_ =	strace $0x80000049;
	[dreg:$0x1] =	wrdreg $0xFFFFFFFF  }
0x1f: {  	s28 =	simm.s32 $_size_execute0_lowered;
	s3 =	sadd.s32 s3, s5;
	[dreg:$0x0] =	wrdreg $0x0  }
0x20: {  	s5 =	sshll.u32 s28, $0x1;
	[dreg:$0x2] =	wrdreg s3  }
0x21: {  	[dreg:$0x3] =	wrdreg s5  }
0x22: {  	[dreg:$0x4] =	wrdreg $0xC0  }
0x23: {  	_ =	task [dreg:s7], $0x5FFFF  }
0x24: {  	[dreg:$0x1] =	wrdreg $0xFFFFFFFF  }
0x25: {  	[dreg:$0x0] =	wrdreg $0x60  }
0x26: {  	[dreg:$0x2] =	wrdreg s25  }
0x27: {  	[dreg:$0x3] =	wrdreg s2  }
0x28: {  	[dreg:$0x4] =	wrdreg $0x9  }
0x29: {  	_ =	task.clear_ibuf [dreg:s7], $0x5FFFF;
	_ =	strace $0x90000049  }
0x2a: {  	s29 =	simm.s32 $0x9;
	_ =	strace $0x8000004B  }
0x2b: {  	_ =	swait.ge [sflag:s29], $0x1  }
0x2c: {  	[sflag:s29] =	ssyncadd.s32 $0xFFFFFFFF  }
0x2d: {  	_ =	strace $0x9000004B  }
0x2e: {  	_ =	sfence  }
0x2f: {  	s30 =	sld [smem:$0x0];
	_ =	sdelay $0x2  }
0x30: {  	s31 =	sshll.u32 s1, $0xD;
	s1 =	sshrl.u32 s1, $0x2  }
0x31: {  	s3 =	sand.u32 $0x4000, s31;
	s1 =	sadd.s32 s1, s30  }
0x32: {  	s0 =	sor.u32 s3, s0;
	s1 =	sshll.u32 s1, $0x11  }
0x33: {  	s0 =	sor.u32 s1, s0  }
0x34: {  	s0 =	sadd.s32 $0x8F2B, s0  }
0x35: {  	[sflag:s0] =	ssyncadd.remote.s32 $0x1  }
0x36: {  	_ =	sfence.sel $0xFFFF  }
0x37: {  	[dreg:$0x0] =	wrdreg $0xFFFFFFFF;
	(pc) =	sbr.abs _section_cstart, $3  }
0x38: {  	[dreg:$0x1] =	wrdreg $0xFFFFFFFF  }
0x39: {  	_ =	task.clear_ibuf [dreg:s7], $0x2FFFF;
	_ =	strace $0x9FFFFFFF  }
0x3a: {  	(tm) =	ssettm $0x7FFFFFFF  }
0x3b: {  	_ =	shalt  }
tec
execute0_lowered:
.L_overlay_start_1:
0x0: {  	(tag) =	ssettag $0x1  }
0x1: {  	s0 =	srdreg.scid  }
0x2: {  	s1 =	sshll.u32 s0, $0x4  }
0x3: {  	s0 =	stileid.u32;
	s1 =	sand.u32 $0x10, s1  }
0x4: {  	s1 =	sor.u32 s0, s1  }
0x5: {  	s6 =	rddreg [dreg:$0x0];
	s4 =	simm.s32 $0x1;
	s2 =	sshll.u32 s1, $0x7  }
0x6: {  	s7 =	simm.s32 $0x2;
	s12 =	simm.s32 $0x0;
	s1 =	ssub.s32 $0x1000, s2  }
0x7: {  	s8 =	simm.s32 $0x8000;
	s13 =	simm.s32 $0x0;
	s3 =	sand.u32 $0xF80, s1  }
0x8: {  	s9 =	simm.s32 $0x0;
	s5 =	sshrl.u32 s1, $0xC;
	p0 =	sne.s32 s3, $0x0  }
.Ltmp0:
0x9: {  	s1 =	rddreg [dreg:$0x2];
	s4 =	simm.s32 @!p0 $0x0;
	(pc) =	sbr.rel .LBB1_1-.Ltmp0, $4  }
0xa: {  	s11 =	simm.s32 $0x0;
	s3 =	rddreg [dreg:$0x1];
	s5 =	sadd.s32 s4, s5  }
0xb: {  	_ =	strace $0x8000004A;
	s4 =	simm.s32 $0x1;
	s5 =	smul.u32 $0xC8, s5  }
0xc: {  	s6 =	sadd.s32 $0xA00, s6;
	s10 =	smov.u32 s2;
	[sflag:s4] =	ssyncpa.u1 $0x0  }
0xd: {  	p0 =	por $0x0, $0x0;
	[sflag:s7] =	ssyncpa.u1 $0x0;
	s7 =	sor.u32 $0x1, s5  }
.LBB1_4:
0xe: {  	s16 =	sshll.u32 s13, $0x3;
	s17 =	sand.u32 $0x78, s13  }
0xf: {  	s30 =	sand.u32 $0x3E00, s13;
	s12 =	sshll.u32 s12, $0xE;
	s16 =	sand.u32 $0xC00, s16  }
0x10: {  	s31 =	sand.u32 $0x7, s13;
	s16 =	sor.u32 s17, s16;
	s17 =	sadd.s32 s3, s30  }
0x11: {  	s13 =	sshll.u32 s31, $0x12;
	s16 =	sshrl.u32 s16, $0x3;
	s12 =	sadd.s32 s12, s17  }
0x12: {  	[tilespmem:s15+$0x0 ss:$0x81] =	vst.msk $0xffff, v0;
	s13 =	sor.u32 $0x400, s13;
	s12 =	sadd.s32 s16, s12  }
0x13: {  	[hbm4b:s12+s13] =	stream.strided.scatter [tilespmem:s14], [sflag:$0x2], $0x1000, s8, s13, $0x20;
	[tilespmem:$0x4040] =	vst v63  }
.LBB1_5:
0x14: {  	s14 =	sadd.s32 $0x1, s9  }
0x15: {  	s12 =	sadd.s32 $0x1000, s10;
	s16 =	smov.u32 s10;
	p2 =	sgt.s32 s14, $0xC7  }
0x16: {  	s16 =	smov.u32 @p2 s12  }
0x17: {  	s14 =	simm.s32 @p2 $0x0;
	p2 =	sgt.s32 s16, $0xFFF  }
0x18: {  	s16 =	smov.u32 @p2 s2;
	p2 =	sne.s32 s11, s7  }
.Ltmp1:
0x19: {  	p1 =	slt.u32 s11, $0x2;
	(pc) =	sbr.rel @!p2 .LBB1_6-.Ltmp1, $4  }
0x1a: {  	s15 =	simm.s32 @!p1 $0x2  }
0x1b: {  	s13 =	smov.u32 s10;
	p0 =	por !p0, !p0;
	_ =	swait.ge @!p1 [sflag:s15], $0x1000  }
0x1c: {  	s12 =	smov.u32 s9;
	[sflag:s15] =	ssyncset.done @!p1 $0x0;
	s9 =	smov.u32 s14  }
0x1d: {  	s11 =	sadd.s32 $0x1, s11;
	[sflag:s15] =	ssyncadd.s32 @!p1 $0xFFFFF000;
	s10 =	smov.u32 s16  }
.LBB1_1:
0x1e: {  	p1 =	sge.u32 s11, s5  }
0x1f: {  	s14 =	sand.u32 @!p1 $0x1FFFFFF, s9  }
0x20: {  	s15 =	smulhi.u32 @!p1 $0x147AE15, s14;
	_ =	sdelay $0x1  }
0x21: {  	s15 =	smul.u32 @!p1 $0xC8, s15  }
0x22: {  	s16 =	sxor.u32 @!p1 $0xFFFFFFFF, s11;
	s17 =	smul.u32 @!p1 $0xC80, s10  }
0x23: {  	s31 =	sadd.s32 $0xFFFFFFFF, s11;
	s16 =	sshll.u32 @!p1 s16, $0xC;
	s14 =	ssub.s32 @!p1 s14, s15  }
0x24: {  	s15 =	sand.u32 @!p1 $0x1000, s16;
	s16 =	sadd.s32 @!p1 s6, s17;
	s14 =	sshll.u32 @!p1 s14, $0x4  }
0x25: {  	s17 =	simm.s32 @!p1 $0x6400;
	s14 =	sadd.s32 @!p1 s14, s16;
	s16 =	simm.s32 @!p1 $0x20  }
0x26: {  	[tilespmem:s15], [sflag:$0x1] =	stream.strided.gather @!p1 [hbm4b:s14+s16], $0x1000, s17, s16, $0x38;
	[tilespmem:$0x4040] =	vst v63  }
0x27: {  	p1 =	sge.u32 s31, s5  }
.Ltmp2:
0x28: {  	_ = 	snop;
	(pc) =	sbr.rel @p1 .LBB1_5-.Ltmp2, $1  }
0x29: {  	_ =	sdelay $0x3  }
0x2a: {  	s14 =	simm.s32 $0x1  }
0x2b: {  	_ =	swait.ge [sflag:s4], $0x1000;
	s14 =	simm.s32 @!p0 $0x0  }
0x2c: {  	[sflag:s4] =	ssyncset.done $0x0;
	s15 =	sshll.u32 s14, $0xC  }
0x2d: {  	[sflag:s4] =	ssyncadd.s32 $0xFFFFF000;
	s18 =	sor.u32 $0x10, s15  }
0x2e: {  	s14 =	smul.u32 $0x4080, s14;
	v1 =	vld [tilespmem:s18+$0x0]  }
0x2f: {  	s30 =	sand.u32 $0x1, s11;
	v0 =	vld [tilespmem:s18+$0xFFFFFFF0]  }
0x30: {  	s15 =	smul.u32 $0x4080, s30;
	s14 =	sshrl.u32 s14, $0x2  }
0x31: {  	s16 =	sor.u32 $0x2000, s14  }
0x32: {  	s31 =	sshrl.u32 s15, $0x2;
	s15 =	sadd.s32 $0x0, s16  }
0x33: {  	s17 =	simm.s32 $0x4;
	s18 =	sadd.s32 $0x20, s18;
	s14 =	sor.u32 $0x2000, s31;
	[tilespmem:s15+$0x810 ss:$0x81] =	vst.msk $0xffff, v1  }
.LBB1_3:
0x34: {  	v1 =	vld [tilespmem:s18+$0x0];
	p1 =	sne.s32 s17, $0x1FC;
	[tilespmem:s15+$0x0 ss:$0x81] =	vst.msk $0xffff, v0;
	s15 =	smov.u32 s17;
	s17 =	sadd.s32 $0x4, s17  }
.Ltmp3:
0x35: {  	v0 =	vld [tilespmem:s18+$0xFFFFFFF0];
	(pc) =	sbr.rel @p1 .LBB1_3-.Ltmp3, $4  }
0x36: {  	_ = 	snop  }
0x37: {  	s15 =	sshra.s32 s15, $0x2  }
0x38: {  	s15 =	sadd.s32 s15, s16  }
0x39: {  	s18 =	sadd.s32 $0x20, s18;
	[tilespmem:s15+$0x810 ss:$0x81] =	vst.msk $0xffff, v1  }
.Ltmp4:
0x3a: {  	_ = 	snop;
	(pc) =	sbr.rel .LBB1_4-.Ltmp4, $1  }
0x3b: {  	_ =	sdelay $0x3  }
.LBB1_6:
0x3c: {  	_ =	sfence.sel $0x180000  }
0x3d: {  	s2 =	simm.s32 $0x1;
	[bflag:$0x0] =	sbarrier.arrive $0xFFFF  }
0x3e: {  	s31 =	simm.s32 $0x2;
	[sflag:s2] =	ssyncpa.u1 $0x1  }
0x3f: {  	[sflag:s31] =	ssyncpa.u1 $0x1  }
0x40: {  	p0 =	sne.s32 s0, $0x0;
	_ =	strace $0x9000004A  }
0x41: {  	s0 =	sadd.s32 @!p0 $0x100000, s1;
	[bflag:$0x2] =	sbarrier.arrive $0xFFFF  }
0x42: {  	[sflag:s0] =	ssyncadd.tile.s32 @!p0 $0x1;
	_ =	shalt  }
.Lfunc_end1:
_tile_overlayer_lowered:
.L_overlay_start_2:
0x43: {  	(tag) =	ssettag $0x2  }
0x44: {  	s0 =	rddreg [dreg:$0x0];
	s2 =	stileid.u32  }
0x45: {  	s1 =	rddreg [dreg:$0x1];
	p0 =	sne.s32 s2, $0x0  }
0x46: {  	s3 =	rddreg [dreg:$0x2];
	[bflag:$0x3] =	sbarrier.arrive $0xFFFF;
	s2 =	simm.s32 @!p0 $0x1C01  }
0x47: {  	[timem:s3], [sflag:s2] =	dma.local @!p0 [hbm:s0], s1  }
0x48: {  	s0 =	simm.s32 @!p0 $0x1  }
0x49: {  	_ =	swait.ge @!p0 [sflag:s0], s1  }
0x4a: {  	s1 =	ssub.s32 @!p0 $0x0, s1;
	[sflag:s0] =	ssyncset.done @!p0 $0x0  }
0x4b: {  	[sflag:s0] =	ssyncadd.s32 @!p0 s1  }
0x4c: {  	[bflag:$0x3] =	sbarrier.arrive $0xFFFF  }
0x4d: {  	_ =	shalt  }

</sc_bundles>
